<compile_context>
chip_gen: v7x
topology: tpu7x:2x2x1
jax: 0.10.2.dev20260603
libtpu: 0.0.44.dev20260713+nightly
codegen_flags: <defaults>
</compile_context>

<pallas_src>
import functools

import jax
import jax.numpy as jnp
from jax import lax
from jax.experimental import pallas as pl
from jax.experimental.pallas import tpu as pltpu
from jax.experimental.pallas import tpu_sc as plsc

NUM_FIELDS = 26
VOCAB = 100000
DIM = 32
BATCH = 16384

NC = 2
NS = 16
NW = NC * NS
PAIRS_PER_W = (NUM_FIELDS * DIM) // NW
QOUT = BATCH // 4
G16 = QOUT // 16
VCH = 6272
VTAIL = (VOCAB // 128) * 128
VCHS = [(i * VCH, VCH) for i in range(15)] + [(15 * VCH, VTAIL - 15 * VCH)]
TAIL = VOCAB - VTAIL

_mesh = plsc.VectorSubcoreMesh(core_axis_name="c", subcore_axis_name="s")


@functools.partial(
    pl.kernel,
    out_type=jax.ShapeDtypeStruct((NUM_FIELDS, DIM, BATCH), jnp.float32),
    mesh=_mesh,
    scratch_types=[
        pltpu.VMEM((BATCH,), jnp.int32),
        pltpu.VMEM((VOCAB,), jnp.float32),
        pltpu.VMEM((2, QOUT), jnp.float32),
        pltpu.VMEM((DIM * TAIL,), jnp.float32),
        pltpu.SemaphoreType.DMA,
        pltpu.SemaphoreType.DMA,
        pltpu.SemaphoreType.DMA,
    ],
    compiler_params=pltpu.CompilerParams(use_tc_tiling_on_sc=True, needs_layout_passes=False),
)
def _emb_lookup(idx_hbm, tab_hbm, tails_hbm, out_hbm, idx_v, tab_v, out_v, tail_v,
                sem_t, sem_s0, sem_s1):
    wid = lax.axis_index("s") * NC + lax.axis_index("c")
    p0 = wid * PAIRS_PER_W
    sem_s = (sem_s0, sem_s1)

    def _store_drain(f, d, j):
        pltpu.make_async_copy(
            out_v.at[j % 2], out_hbm.at[f, d, pl.ds(j * QOUT, QOUT)], sem_s[j % 2]
        ).wait()

    def _pair(k, carry):
        p = p0 + k
        f = p // DIM
        d = lax.rem(p, DIM)

        tcps = [
            pltpu.async_copy(
                tab_hbm.at[f, d, pl.ds(off, sz)],
                tab_v.at[pl.ds(off, sz)],
                sem_t,
            )
            for off, sz in VCHS
        ]

        @pl.when(jnp.logical_or(k == 0, d == 0))
        def _load_idx():
            pltpu.sync_copy(idx_hbm.at[f], idx_v)
            pltpu.sync_copy(tails_hbm.at[f], tail_v)

        for t in range(TAIL // 16):
            tab_v[pl.ds(VTAIL + t * 16, 16)] = tail_v[pl.ds(d * TAIL + t * 16, 16)]

        for cp in tcps:
            cp.wait()

        for j in range(4):
            if j >= 2:
                _store_drain(f, d, j)
            else:
                @pl.when(k > 0)
                def _drain_prev():
                    _store_drain(f, d, j)
            base = j * QOUT

            @plsc.parallel_loop(0, G16, 1, unroll=16)
            def _g16(i):
                idx16 = idx_v[pl.ds(base + i * 16, 16)]
                out_v[j % 2, pl.ds(i * 16, 16)] = plsc.load_gather(tab_v, [idx16])
            pltpu.async_copy(
                out_v.at[j % 2], out_hbm.at[f, d, pl.ds(base, QOUT)], sem_s[j % 2]
            )
        return carry

    lax.fori_loop(0, PAIRS_PER_W, _pair, 0)
    pl_last = p0 + PAIRS_PER_W - 1
    _store_drain(pl_last // DIM, lax.rem(pl_last, DIM), 2)
    _store_drain(pl_last // DIM, lax.rem(pl_last, DIM), 3)


def kernel(sparse_inputs, tables):
    idx_t = sparse_inputs.astype(jnp.int32).T
    tab_t = jnp.transpose(tables, (0, 2, 1))
    tails = jnp.transpose(tables[:, VTAIL:, :], (0, 2, 1)).reshape(NUM_FIELDS,
                                                                   DIM * TAIL)
    out_t = _emb_lookup(idx_t, tab_t, tails)
    return jnp.transpose(out_t, (2, 0, 1))

# --- scband reference (transcript-rebuilt; emitter-appended) ---
"""Pipeline reference for scband-sparse-embedding-23141283791159 (READ-ONLY COPY).

The authoritative reference and input builder live on the scoring server;
editing this copy changes nothing except your own understanding.
"""

import jax, jax.numpy as jnp
import numpy as np

NUM_FIELDS = 26
VOCAB = 100000
DIM_EMB = 32
BATCH = 16384

def setup_inputs(seed: int = 0) -> dict:
    key = jax.random.key(seed)
    k_idx, k_tab = jax.random.split(key)
    sparse_inputs = jax.random.randint(k_idx, (BATCH, NUM_FIELDS), 0, VOCAB, dtype=jnp.int64 if jax.config.jax_enable_x64 else jnp.int32)
    # One embedding table per sparse field, all same vocab/dim per init_kwargs.
    # Materialized as a single stacked tensor [NUM_FIELDS, VOCAB, DIM_EMB].
    tables = jax.random.normal(k_tab, (NUM_FIELDS, VOCAB, DIM_EMB), dtype=jnp.float32) * 0.05
    return {"sparse_inputs": sparse_inputs, "tables": tables}

def reference(sparse_inputs, tables):
    # Faithful translation: per-field embedding lookup, then stack along axis=1.
    sparse_outputs = [jnp.take(tables[i], sparse_inputs[:, i], axis=0) for i in range(NUM_FIELDS)]
    return jnp.stack(sparse_outputs, axis=1)  # [BATCH, NUM_FIELDS, DIM_EMB]

if __name__ == "__main__":
    import jax
    _d = setup_inputs()
    print(jax.jit(kernel)(*tuple(_d.values())))

</pallas_src>

<mosaic_0001>
#map = affine_map<(d0, d1) -> (0, 0)>
#map1 = affine_map<(d0, d1) -> (0, 0, 0)>
module attributes {stable_mosaic.version = 14 : i64} {
  func.func @_emb_lookup(%arg0: i32, %arg1: i32, %arg2: memref<26x16384xi32, #tpu.memory_space<hbm>>, %arg3: memref<26x32x100000xf32, #tpu.memory_space<hbm>>, %arg4: memref<26x1024xf32, #tpu.memory_space<hbm>>, %arg5: memref<26x32x16384xf32, #tpu.memory_space<hbm>>, %arg6: memref<16384xi32, #tpu.memory_space<vmem>>, %arg7: memref<100000xf32, #tpu.memory_space<vmem>>, %arg8: memref<2x4096xf32, #tpu.memory_space<vmem>>, %arg9: memref<1024xf32, #tpu.memory_space<vmem>>, %arg10: memref<!tpu.dma_semaphore, #tpu.memory_space<semaphore_mem>>, %arg11: memref<!tpu.dma_semaphore, #tpu.memory_space<semaphore_mem>>, %arg12: memref<!tpu.dma_semaphore, #tpu.memory_space<semaphore_mem>>) attributes {dimension_semantics = [#tpu.dimension_semantics<core_parallel>, #tpu.dimension_semantics<subcore_parallel>], iteration_bounds = array<i64: 2, 16>, scalar_prefetch = 0 : i64, scratch_operands = 7 : i64, tpu.core_type = #tpu.core_type<sc_vector_subcore>, window_params = [{transform_indices = #map}, {transform_indices = #map1}, {transform_indices = #map}, {transform_indices = #map1}]} {
    %mul3A = arith.constant 2 : i32
    %mul3A_0 = arith.muli %arg1, %mul3A : i32
    %add3A = arith.addi %mul3A_0, %arg0 : i32
    %mul3A_1 = arith.constant 26 : i32
    %mul3A_2 = arith.muli %add3A, %mul3A_1 : i32
    %scan3A = arith.constant 0 : i32
    %scan3A_3 = arith.constant 0 : i32
    %scan3A_4 = arith.constant 26 : i32
    %scan3A_5 = arith.addi %scan3A_3, %scan3A_4 : i32
    %scan3A_6 = arith.constant 1 : i32
    scf.for %scan3A_81 = %scan3A_3 to %scan3A_5 step %scan3A_6  : i32 {
      %add3A_82 = arith.addi %mul3A_2, %scan3A_81 : i32
      %jit3A_83 = arith.constant 32 : i32
      %div3A_84 = arith.divsi %add3A_82, %jit3A_83 : i32
      %sign3A_85 = arith.constant 0 : i32
      %sign3A_86 = arith.cmpi sgt, %add3A_82, %sign3A_85 : i32
      %sign3A_87 = arith.extui %sign3A_86 : i1 to i32
      %sign3A_88 = arith.constant 0 : i32
      %sign3A_89 = arith.cmpi slt, %add3A_82, %sign3A_88 : i32
      %sign3A_90 = arith.extui %sign3A_89 : i1 to i32
      %sign3A_91 = arith.subi %sign3A_87, %sign3A_90 : i32
      %sign3A_92 = arith.constant 0 : i32
      %sign3A_93 = arith.cmpi sgt, %jit3A_83, %sign3A_92 : i32
      %sign3A_94 = arith.extui %sign3A_93 : i1 to i32
      %sign3A_95 = arith.constant 0 : i32
      %sign3A_96 = arith.cmpi slt, %jit3A_83, %sign3A_95 : i32
      %sign3A_97 = arith.extui %sign3A_96 : i1 to i32
      %sign3A_98 = arith.subi %sign3A_94, %sign3A_97 : i32
      %ne3A_99 = arith.cmpi ne, %sign3A_91, %sign3A_98 : i32
      %rem3A_100 = arith.remsi %add3A_82, %jit3A_83 : i32
      %ne3A_101 = arith.constant 0 : i32
      %ne3A_102 = arith.cmpi ne, %rem3A_100, %ne3A_101 : i32
      %and3A_103 = arith.andi %ne3A_99, %ne3A_102 : i1
      %sub3A_104 = arith.constant 1 : i32
      %sub3A_105 = arith.subi %div3A_84, %sub3A_104 : i32
      %select_n3A_106 = arith.select %and3A_103, %sub3A_105, %div3A_84 : i32
      %rem3A_107 = arith.constant 32 : i32
      %rem3A_108 = arith.remsi %add3A_82, %rem3A_107 : i32
      %dma_start3A = arith.constant 0 : i32
      %dma_start3A_109 = tpu.memref_slice %arg7[%dma_start3A] : memref<100000xf32, #tpu.memory_space<vmem>> -> memref<6272xf32, #tpu.memory_space<vmem>>
      %dma_start3A_110 = arith.constant 0 : i32
      %dma_start3A_111 = tpu.memref_slice %arg3[%select_n3A_106, %rem3A_108, %dma_start3A_110] : memref<26x32x100000xf32, #tpu.memory_space<hbm>> -> memref<1x1x6272xf32, #tpu.memory_space<hbm>>
      %dma_start3A_112 = tpu.memref_squeeze %dma_start3A_111 : memref<1x1x6272xf32, #tpu.memory_space<hbm>> -> memref<6272xf32, #tpu.memory_space<hbm>>
      %dma_start3A_113 = arith.constant 0 : i32
      %dma_start3A_114 = tpu.memref_slice %arg7[%dma_start3A_113] : memref<100000xf32, #tpu.memory_space<vmem>> -> memref<6272xf32, #tpu.memory_space<vmem>>
      %dma_start3A_115 = arith.constant 0 : i32
      %dma_start3A_116 = tpu.memref_slice %arg3[%select_n3A_106, %rem3A_108, %dma_start3A_115] : memref<26x32x100000xf32, #tpu.memory_space<hbm>> -> memref<1x1x6272xf32, #tpu.memory_space<hbm>>
      %dma_start3A_117 = tpu.memref_squeeze %dma_start3A_116 : memref<1x1x6272xf32, #tpu.memory_space<hbm>> -> memref<6272xf32, #tpu.memory_space<hbm>>
      tpu.enqueue_dma source(%dma_start3A_117 : memref<6272xf32, #tpu.memory_space<hbm>>) target(%dma_start3A_114 : memref<6272xf32, #tpu.memory_space<vmem>>) target_semaphore(%arg10 : memref<!tpu.dma_semaphore, #tpu.memory_space<semaphore_mem>>)
      %dma_start3A_118 = arith.constant 6272 : i32
      %dma_start3A_119 = tpu.memref_slice %arg7[%dma_start3A_118] : memref<100000xf32, #tpu.memory_space<vmem>> -> memref<6272xf32, #tpu.memory_space<vmem>>
      %dma_start3A_120 = arith.constant 6272 : i32
      %dma_start3A_121 = tpu.memref_slice %arg3[%select_n3A_106, %rem3A_108, %dma_start3A_120] : memref<26x32x100000xf32, #tpu.memory_space<hbm>> -> memref<1x1x6272xf32, #tpu.memory_space<hbm>>
      %dma_start3A_122 = tpu.memref_squeeze %dma_start3A_121 : memref<1x1x6272xf32, #tpu.memory_space<hbm>> -> memref<6272xf32, #tpu.memory_space<hbm>>
      %dma_start3A_123 = arith.constant 6272 : i32
      %dma_start3A_124 = tpu.memref_slice %arg7[%dma_start3A_123] : memref<100000xf32, #tpu.memory_space<vmem>> -> memref<6272xf32, #tpu.memory_space<vmem>>
      %dma_start3A_125 = arith.constant 6272 : i32
      %dma_start3A_126 = tpu.memref_slice %arg3[%select_n3A_106, %rem3A_108, %dma_start3A_125] : memref<26x32x100000xf32, #tpu.memory_space<hbm>> -> memref<1x1x6272xf32, #tpu.memory_space<hbm>>
      %dma_start3A_127 = tpu.memref_squeeze %dma_start3A_126 : memref<1x1x6272xf32, #tpu.memory_space<hbm>> -> memref<6272xf32, #tpu.memory_space<hbm>>
      tpu.enqueue_dma source(%dma_start3A_127 : memref<6272xf32, #tpu.memory_space<hbm>>) target(%dma_start3A_124 : memref<6272xf32, #tpu.memory_space<vmem>>) target_semaphore(%arg10 : memref<!tpu.dma_semaphore, #tpu.memory_space<semaphore_mem>>)
      %dma_start3A_128 = arith.constant 12544 : i32
      %dma_start3A_129 = tpu.memref_slice %arg7[%dma_start3A_128] : memref<100000xf32, #tpu.memory_space<vmem>> -> memref<6272xf32, #tpu.memory_space<vmem>>
      %dma_start3A_130 = arith.constant 12544 : i32
      %dma_start3A_131 = tpu.memref_slice %arg3[%select_n3A_106, %rem3A_108, %dma_start3A_130] : memref<26x32x100000xf32, #tpu.memory_space<hbm>> -> memref<1x1x6272xf32, #tpu.memory_space<hbm>>
      %dma_start3A_132 = tpu.memref_squeeze %dma_start3A_131 : memref<1x1x6272xf32, #tpu.memory_space<hbm>> -> memref<6272xf32, #tpu.memory_space<hbm>>
      %dma_start3A_133 = arith.constant 12544 : i32
      %dma_start3A_134 = tpu.memref_slice %arg7[%dma_start3A_133] : memref<100000xf32, #tpu.memory_space<vmem>> -> memref<6272xf32, #tpu.memory_space<vmem>>
      %dma_start3A_135 = arith.constant 12544 : i32
      %dma_start3A_136 = tpu.memref_slice %arg3[%select_n3A_106, %rem3A_108, %dma_start3A_135] : memref<26x32x100000xf32, #tpu.memory_space<hbm>> -> memref<1x1x6272xf32, #tpu.memory_space<hbm>>
      %dma_start3A_137 = tpu.memref_squeeze %dma_start3A_136 : memref<1x1x6272xf32, #tpu.memory_space<hbm>> -> memref<6272xf32, #tpu.memory_space<hbm>>
      tpu.enqueue_dma source(%dma_start3A_137 : memref<6272xf32, #tpu.memory_space<hbm>>) target(%dma_start3A_134 : memref<6272xf32, #tpu.memory_space<vmem>>) target_semaphore(%arg10 : memref<!tpu.dma_semaphore, #tpu.memory_space<semaphore_mem>>)
      %dma_start3A_138 = arith.constant 18816 : i32
      %dma_start3A_139 = tpu.memref_slice %arg7[%dma_start3A_138] : memref<100000xf32, #tpu.memory_space<vmem>> -> memref<6272xf32, #tpu.memory_space<vmem>>
      %dma_start3A_140 = arith.constant 18816 : i32
      %dma_start3A_141 = tpu.memref_slice %arg3[%select_n3A_106, %rem3A_108, %dma_start3A_140] : memref<26x32x100000xf32, #tpu.memory_space<hbm>> -> memref<1x1x6272xf32, #tpu.memory_space<hbm>>
      %dma_start3A_142 = tpu.memref_squeeze %dma_start3A_141 : memref<1x1x6272xf32, #tpu.memory_space<hbm>> -> memref<6272xf32, #tpu.memory_space<hbm>>
      %dma_start3A_143 = arith.constant 18816 : i32
      %dma_start3A_144 = tpu.memref_slice %arg7[%dma_start3A_143] : memref<100000xf32, #tpu.memory_space<vmem>> -> memref<6272xf32, #tpu.memory_space<vmem>>
      %dma_start3A_145 = arith.constant 18816 : i32
      %dma_start3A_146 = tpu.memref_slice %arg3[%select_n3A_106, %rem3A_108, %dma_start3A_145] : memref<26x32x100000xf32, #tpu.memory_space<hbm>> -> memref<1x1x6272xf32, #tpu.memory_space<hbm>>
      %dma_start3A_147 = tpu.memref_squeeze %dma_start3A_146 : memref<1x1x6272xf32, #tpu.memory_space<hbm>> -> memref<6272xf32, #tpu.memory_space<hbm>>
      tpu.enqueue_dma source(%dma_start3A_147 : memref<6272xf32, #tpu.memory_space<hbm>>) target(%dma_start3A_144 : memref<6272xf32, #tpu.memory_space<vmem>>) target_semaphore(%arg10 : memref<!tpu.dma_semaphore, #tpu.memory_space<semaphore_mem>>)
      %dma_start3A_148 = arith.constant 25088 : i32
      %dma_start3A_149 = tpu.memref_slice %arg7[%dma_start3A_148] : memref<100000xf32, #tpu.memory_space<vmem>> -> memref<6272xf32, #tpu.memory_space<vmem>>
      %dma_start3A_150 = arith.constant 25088 : i32
      %dma_start3A_151 = tpu.memref_slice %arg3[%select_n3A_106, %rem3A_108, %dma_start3A_150] : memref<26x32x100000xf32, #tpu.memory_space<hbm>> -> memref<1x1x6272xf32, #tpu.memory_space<hbm>>
      %dma_start3A_152 = tpu.memref_squeeze %dma_start3A_151 : memref<1x1x6272xf32, #tpu.memory_space<hbm>> -> memref<6272xf32, #tpu.memory_space<hbm>>
      %dma_start3A_153 = arith.constant 25088 : i32
      %dma_start3A_154 = tpu.memref_slice %arg7[%dma_start3A_153] : memref<100000xf32, #tpu.memory_space<vmem>> -> memref<6272xf32, #tpu.memory_space<vmem>>
      %dma_start3A_155 = arith.constant 25088 : i32
      %dma_start3A_156 = tpu.memref_slice %arg3[%select_n3A_106, %rem3A_108, %dma_start3A_155] : memref<26x32x100000xf32, #tpu.memory_space<hbm>> -> memref<1x1x6272xf32, #tpu.memory_space<hbm>>
      %dma_start3A_157 = tpu.memref_squeeze %dma_start3A_156 : memref<1x1x6272xf32, #tpu.memory_space<hbm>> -> memref<6272xf32, #tpu.memory_space<hbm>>
      tpu.enqueue_dma source(%dma_start3A_157 : memref<6272xf32, #tpu.memory_space<hbm>>) target(%dma_start3A_154 : memref<6272xf32, #tpu.memory_space<vmem>>) target_semaphore(%arg10 : memref<!tpu.dma_semaphore, #tpu.memory_space<semaphore_mem>>)
      %dma_start3A_158 = arith.constant 31360 : i32
      %dma_start3A_159 = tpu.memref_slice %arg7[%dma_start3A_158] : memref<100000xf32, #tpu.memory_space<vmem>> -> memref<6272xf32, #tpu.memory_space<vmem>>
      %dma_start3A_160 = arith.constant 31360 : i32
      %dma_start3A_161 = tpu.memref_slice %arg3[%select_n3A_106, %rem3A_108, %dma_start3A_160] : memref<26x32x100000xf32, #tpu.memory_space<hbm>> -> memref<1x1x6272xf32, #tpu.memory_space<hbm>>
      %dma_start3A_162 = tpu.memref_squeeze %dma_start3A_161 : memref<1x1x6272xf32, #tpu.memory_space<hbm>> -> memref<6272xf32, #tpu.memory_space<hbm>>
      %dma_start3A_163 = arith.constant 31360 : i32
      %dma_start3A_164 = tpu.memref_slice %arg7[%dma_start3A_163] : memref<100000xf32, #tpu.memory_space<vmem>> -> memref<6272xf32, #tpu.memory_space<vmem>>
      %dma_start3A_165 = arith.constant 31360 : i32
      %dma_start3A_166 = tpu.memref_slice %arg3[%select_n3A_106, %rem3A_108, %dma_start3A_165] : memref<26x32x100000xf32, #tpu.memory_space<hbm>> -> memref<1x1x6272xf32, #tpu.memory_space<hbm>>
      %dma_start3A_167 = tpu.memref_squeeze %dma_start3A_166 : memref<1x1x6272xf32, #tpu.memory_space<hbm>> -> memref<6272xf32, #tpu.memory_space<hbm>>
      tpu.enqueue_dma source(%dma_start3A_167 : memref<6272xf32, #tpu.memory_space<hbm>>) target(%dma_start3A_164 : memref<6272xf32, #tpu.memory_space<vmem>>) target_semaphore(%arg10 : memref<!tpu.dma_semaphore, #tpu.memory_space<semaphore_mem>>)
      %dma_start3A_168 = arith.constant 37632 : i32
      %dma_start3A_169 = tpu.memref_slice %arg7[%dma_start3A_168] : memref<100000xf32, #tpu.memory_space<vmem>> -> memref<6272xf32, #tpu.memory_space<vmem>>
      %dma_start3A_170 = arith.constant 37632 : i32
      %dma_start3A_171 = tpu.memref_slice %arg3[%select_n3A_106, %rem3A_108, %dma_start3A_170] : memref<26x32x100000xf32, #tpu.memory_space<hbm>> -> memref<1x1x6272xf32, #tpu.memory_space<hbm>>
      %dma_start3A_172 = tpu.memref_squeeze %dma_start3A_171 : memref<1x1x6272xf32, #tpu.memory_space<hbm>> -> memref<6272xf32, #tpu.memory_space<hbm>>
      %dma_start3A_173 = arith.constant 37632 : i32
      %dma_start3A_174 = tpu.memref_slice %arg7[%dma_start3A_173] : memref<100000xf32, #tpu.memory_space<vmem>> -> memref<6272xf32, #tpu.memory_space<vmem>>
      %dma_start3A_175 = arith.constant 37632 : i32
      %dma_start3A_176 = tpu.memref_slice %arg3[%select_n3A_106, %rem3A_108, %dma_start3A_175] : memref<26x32x100000xf32, #tpu.memory_space<hbm>> -> memref<1x1x6272xf32, #tpu.memory_space<hbm>>
      %dma_start3A_177 = tpu.memref_squeeze %dma_start3A_176 : memref<1x1x6272xf32, #tpu.memory_space<hbm>> -> memref<6272xf32, #tpu.memory_space<hbm>>
      tpu.enqueue_dma source(%dma_start3A_177 : memref<6272xf32, #tpu.memory_space<hbm>>) target(%dma_start3A_174 : memref<6272xf32, #tpu.memory_space<vmem>>) target_semaphore(%arg10 : memref<!tpu.dma_semaphore, #tpu.memory_space<semaphore_mem>>)
      %dma_start3A_178 = arith.constant 43904 : i32
      %dma_start3A_179 = tpu.memref_slice %arg7[%dma_start3A_178] : memref<100000xf32, #tpu.memory_space<vmem>> -> memref<6272xf32, #tpu.memory_space<vmem>>
      %dma_start3A_180 = arith.constant 43904 : i32
      %dma_start3A_181 = tpu.memref_slice %arg3[%select_n3A_106, %rem3A_108, %dma_start3A_180] : memref<26x32x100000xf32, #tpu.memory_space<hbm>> -> memref<1x1x6272xf32, #tpu.memory_space<hbm>>
      %dma_start3A_182 = tpu.memref_squeeze %dma_start3A_181 : memref<1x1x6272xf32, #tpu.memory_space<hbm>> -> memref<6272xf32, #tpu.memory_space<hbm>>
      %dma_start3A_183 = arith.constant 43904 : i32
      %dma_start3A_184 = tpu.memref_slice %arg7[%dma_start3A_183] : memref<100000xf32, #tpu.memory_space<vmem>> -> memref<6272xf32, #tpu.memory_space<vmem>>
      %dma_start3A_185 = arith.constant 43904 : i32
      %dma_start3A_186 = tpu.memref_slice %arg3[%select_n3A_106, %rem3A_108, %dma_start3A_185] : memref<26x32x100000xf32, #tpu.memory_space<hbm>> -> memref<1x1x6272xf32, #tpu.memory_space<hbm>>
      %dma_start3A_187 = tpu.memref_squeeze %dma_start3A_186 : memref<1x1x6272xf32, #tpu.memory_space<hbm>> -> memref<6272xf32, #tpu.memory_space<hbm>>
      tpu.enqueue_dma source(%dma_start3A_187 : memref<6272xf32, #tpu.memory_space<hbm>>) target(%dma_start3A_184 : memref<6272xf32, #tpu.memory_space<vmem>>) target_semaphore(%arg10 : memref<!tpu.dma_semaphore, #tpu.memory_space<semaphore_mem>>)
      %dma_start3A_188 = arith.constant 50176 : i32
      %dma_start3A_189 = tpu.memref_slice %arg7[%dma_start3A_188] : memref<100000xf32, #tpu.memory_space<vmem>> -> memref<6272xf32, #tpu.memory_space<vmem>>
      %dma_start3A_190 = arith.constant 50176 : i32
      %dma_start3A_191 = tpu.memref_slice %arg3[%select_n3A_106, %rem3A_108, %dma_start3A_190] : memref<26x32x100000xf32, #tpu.memory_space<hbm>> -> memref<1x1x6272xf32, #tpu.memory_space<hbm>>
      %dma_start3A_192 = tpu.memref_squeeze %dma_start3A_191 : memref<1x1x6272xf32, #tpu.memory_space<hbm>> -> memref<6272xf32, #tpu.memory_space<hbm>>
      %dma_start3A_193 = arith.constant 50176 : i32
      %dma_start3A_194 = tpu.memref_slice %arg7[%dma_start3A_193] : memref<100000xf32, #tpu.memory_space<vmem>> -> memref<6272xf32, #tpu.memory_space<vmem>>
      %dma_start3A_195 = arith.constant 50176 : i32
      %dma_start3A_196 = tpu.memref_slice %arg3[%select_n3A_106, %rem3A_108, %dma_start3A_195] : memref<26x32x100000xf32, #tpu.memory_space<hbm>> -> memref<1x1x6272xf32, #tpu.memory_space<hbm>>
      %dma_start3A_197 = tpu.memref_squeeze %dma_start3A_196 : memref<1x1x6272xf32, #tpu.memory_space<hbm>> -> memref<6272xf32, #tpu.memory_space<hbm>>
      tpu.enqueue_dma source(%dma_start3A_197 : memref<6272xf32, #tpu.memory_space<hbm>>) target(%dma_start3A_194 : memref<6272xf32, #tpu.memory_space<vmem>>) target_semaphore(%arg10 : memref<!tpu.dma_semaphore, #tpu.memory_space<semaphore_mem>>)
      %dma_start3A_198 = arith.constant 56448 : i32
      %dma_start3A_199 = tpu.memref_slice %arg7[%dma_start3A_198] : memref<100000xf32, #tpu.memory_space<vmem>> -> memref<6272xf32, #tpu.memory_space<vmem>>
      %dma_start3A_200 = arith.constant 56448 : i32
      %dma_start3A_201 = tpu.memref_slice %arg3[%select_n3A_106, %rem3A_108, %dma_start3A_200] : memref<26x32x100000xf32, #tpu.memory_space<hbm>> -> memref<1x1x6272xf32, #tpu.memory_space<hbm>>
      %dma_start3A_202 = tpu.memref_squeeze %dma_start3A_201 : memref<1x1x6272xf32, #tpu.memory_space<hbm>> -> memref<6272xf32, #tpu.memory_space<hbm>>
      %dma_start3A_203 = arith.constant 56448 : i32
      %dma_start3A_204 = tpu.memref_slice %arg7[%dma_start3A_203] : memref<100000xf32, #tpu.memory_space<vmem>> -> memref<6272xf32, #tpu.memory_space<vmem>>
      %dma_start3A_205 = arith.constant 56448 : i32
      %dma_start3A_206 = tpu.memref_slice %arg3[%select_n3A_106, %rem3A_108, %dma_start3A_205] : memref<26x32x100000xf32, #tpu.memory_space<hbm>> -> memref<1x1x6272xf32, #tpu.memory_space<hbm>>
      %dma_start3A_207 = tpu.memref_squeeze %dma_start3A_206 : memref<1x1x6272xf32, #tpu.memory_space<hbm>> -> memref<6272xf32, #tpu.memory_space<hbm>>
      tpu.enqueue_dma source(%dma_start3A_207 : memref<6272xf32, #tpu.memory_space<hbm>>) target(%dma_start3A_204 : memref<6272xf32, #tpu.memory_space<vmem>>) target_semaphore(%arg10 : memref<!tpu.dma_semaphore, #tpu.memory_space<semaphore_mem>>)
      %dma_start3A_208 = arith.constant 62720 : i32
      %dma_start3A_209 = tpu.memref_slice %arg7[%dma_start3A_208] : memref<100000xf32, #tpu.memory_space<vmem>> -> memref<6272xf32, #tpu.memory_space<vmem>>
      %dma_start3A_210 = arith.constant 62720 : i32
      %dma_start3A_211 = tpu.memref_slice %arg3[%select_n3A_106, %rem3A_108, %dma_start3A_210] : memref<26x32x100000xf32, #tpu.memory_space<hbm>> -> memref<1x1x6272xf32, #tpu.memory_space<hbm>>
      %dma_start3A_212 = tpu.memref_squeeze %dma_start3A_211 : memref<1x1x6272xf32, #tpu.memory_space<hbm>> -> memref<6272xf32, #tpu.memory_space<hbm>>
      %dma_start3A_213 = arith.constant 62720 : i32
      %dma_start3A_214 = tpu.memref_slice %arg7[%dma_start3A_213] : memref<100000xf32, #tpu.memory_space<vmem>> -> memref<6272xf32, #tpu.memory_space<vmem>>
      %dma_start3A_215 = arith.constant 62720 : i32
      %dma_start3A_216 = tpu.memref_slice %arg3[%select_n3A_106, %rem3A_108, %dma_start3A_215] : memref<26x32x100000xf32, #tpu.memory_space<hbm>> -> memref<1x1x6272xf32, #tpu.memory_space<hbm>>
      %dma_start3A_217 = tpu.memref_squeeze %dma_start3A_216 : memref<1x1x6272xf32, #tpu.memory_space<hbm>> -> memref<6272xf32, #tpu.memory_space<hbm>>
      tpu.enqueue_dma source(%dma_start3A_217 : memref<6272xf32, #tpu.memory_space<hbm>>) target(%dma_start3A_214 : memref<6272xf32, #tpu.memory_space<vmem>>) target_semaphore(%arg10 : memref<!tpu.dma_semaphore, #tpu.memory_space<semaphore_mem>>)
      %dma_start3A_218 = arith.constant 68992 : i32
      %dma_start3A_219 = tpu.memref_slice %arg7[%dma_start3A_218] : memref<100000xf32, #tpu.memory_space<vmem>> -> memref<6272xf32, #tpu.memory_space<vmem>>
      %dma_start3A_220 = arith.constant 68992 : i32
      %dma_start3A_221 = tpu.memref_slice %arg3[%select_n3A_106, %rem3A_108, %dma_start3A_220] : memref<26x32x100000xf32, #tpu.memory_space<hbm>> -> memref<1x1x6272xf32, #tpu.memory_space<hbm>>
      %dma_start3A_222 = tpu.memref_squeeze %dma_start3A_221 : memref<1x1x6272xf32, #tpu.memory_space<hbm>> -> memref<6272xf32, #tpu.memory_space<hbm>>
      %dma_start3A_223 = arith.constant 68992 : i32
      %dma_start3A_224 = tpu.memref_slice %arg7[%dma_start3A_223] : memref<100000xf32, #tpu.memory_space<vmem>> -> memref<6272xf32, #tpu.memory_space<vmem>>
      %dma_start3A_225 = arith.constant 68992 : i32
      %dma_start3A_226 = tpu.memref_slice %arg3[%select_n3A_106, %rem3A_108, %dma_start3A_225] : memref<26x32x100000xf32, #tpu.memory_space<hbm>> -> memref<1x1x6272xf32, #tpu.memory_space<hbm>>
      %dma_start3A_227 = tpu.memref_squeeze %dma_start3A_226 : memref<1x1x6272xf32, #tpu.memory_space<hbm>> -> memref<6272xf32, #tpu.memory_space<hbm>>
      tpu.enqueue_dma source(%dma_start3A_227 : memref<6272xf32, #tpu.memory_space<hbm>>) target(%dma_start3A_224 : memref<6272xf32, #tpu.memory_space<vmem>>) target_semaphore(%arg10 : memref<!tpu.dma_semaphore, #tpu.memory_space<semaphore_mem>>)
      %dma_start3A_228 = arith.constant 75264 : i32
      %dma_start3A_229 = tpu.memref_slice %arg7[%dma_start3A_228] : memref<100000xf32, #tpu.memory_space<vmem>> -> memref<6272xf32, #tpu.memory_space<vmem>>
      %dma_start3A_230 = arith.constant 75264 : i32
      %dma_start3A_231 = tpu.memref_slice %arg3[%select_n3A_106, %rem3A_108, %dma_start3A_230] : memref<26x32x100000xf32, #tpu.memory_space<hbm>> -> memref<1x1x6272xf32, #tpu.memory_space<hbm>>
      %dma_start3A_232 = tpu.memref_squeeze %dma_start3A_231 : memref<1x1x6272xf32, #tpu.memory_space<hbm>> -> memref<6272xf32, #tpu.memory_space<hbm>>
      %dma_start3A_233 = arith.constant 75264 : i32
      %dma_start3A_234 = tpu.memref_slice %arg7[%dma_start3A_233] : memref<100000xf32, #tpu.memory_space<vmem>> -> memref<6272xf32, #tpu.memory_space<vmem>>
      %dma_start3A_235 = arith.constant 75264 : i32
      %dma_start3A_236 = tpu.memref_slice %arg3[%select_n3A_106, %rem3A_108, %dma_start3A_235] : memref<26x32x100000xf32, #tpu.memory_space<hbm>> -> memref<1x1x6272xf32, #tpu.memory_space<hbm>>
      %dma_start3A_237 = tpu.memref_squeeze %dma_start3A_236 : memref<1x1x6272xf32, #tpu.memory_space<hbm>> -> memref<6272xf32, #tpu.memory_space<hbm>>
      tpu.enqueue_dma source(%dma_start3A_237 : memref<6272xf32, #tpu.memory_space<hbm>>) target(%dma_start3A_234 : memref<6272xf32, #tpu.memory_space<vmem>>) target_semaphore(%arg10 : memref<!tpu.dma_semaphore, #tpu.memory_space<semaphore_mem>>)
      %dma_start3A_238 = arith.constant 81536 : i32
      %dma_start3A_239 = tpu.memref_slice %arg7[%dma_start3A_238] : memref<100000xf32, #tpu.memory_space<vmem>> -> memref<6272xf32, #tpu.memory_space<vmem>>
      %dma_start3A_240 = arith.constant 81536 : i32
      %dma_start3A_241 = tpu.memref_slice %arg3[%select_n3A_106, %rem3A_108, %dma_start3A_240] : memref<26x32x100000xf32, #tpu.memory_space<hbm>> -> memref<1x1x6272xf32, #tpu.memory_space<hbm>>
      %dma_start3A_242 = tpu.memref_squeeze %dma_start3A_241 : memref<1x1x6272xf32, #tpu.memory_space<hbm>> -> memref<6272xf32, #tpu.memory_space<hbm>>
      %dma_start3A_243 = arith.constant 81536 : i32
      %dma_start3A_244 = tpu.memref_slice %arg7[%dma_start3A_243] : memref<100000xf32, #tpu.memory_space<vmem>> -> memref<6272xf32, #tpu.memory_space<vmem>>
      %dma_start3A_245 = arith.constant 81536 : i32
      %dma_start3A_246 = tpu.memref_slice %arg3[%select_n3A_106, %rem3A_108, %dma_start3A_245] : memref<26x32x100000xf32, #tpu.memory_space<hbm>> -> memref<1x1x6272xf32, #tpu.memory_space<hbm>>
      %dma_start3A_247 = tpu.memref_squeeze %dma_start3A_246 : memref<1x1x6272xf32, #tpu.memory_space<hbm>> -> memref<6272xf32, #tpu.memory_space<hbm>>
      tpu.enqueue_dma source(%dma_start3A_247 : memref<6272xf32, #tpu.memory_space<hbm>>) target(%dma_start3A_244 : memref<6272xf32, #tpu.memory_space<vmem>>) target_semaphore(%arg10 : memref<!tpu.dma_semaphore, #tpu.memory_space<semaphore_mem>>)
      %dma_start3A_248 = arith.constant 87808 : i32
      %dma_start3A_249 = tpu.memref_slice %arg7[%dma_start3A_248] : memref<100000xf32, #tpu.memory_space<vmem>> -> memref<6272xf32, #tpu.memory_space<vmem>>
      %dma_start3A_250 = arith.constant 87808 : i32
      %dma_start3A_251 = tpu.memref_slice %arg3[%select_n3A_106, %rem3A_108, %dma_start3A_250] : memref<26x32x100000xf32, #tpu.memory_space<hbm>> -> memref<1x1x6272xf32, #tpu.memory_space<hbm>>
      %dma_start3A_252 = tpu.memref_squeeze %dma_start3A_251 : memref<1x1x6272xf32, #tpu.memory_space<hbm>> -> memref<6272xf32, #tpu.memory_space<hbm>>
      %dma_start3A_253 = arith.constant 87808 : i32
      %dma_start3A_254 = tpu.memref_slice %arg7[%dma_start3A_253] : memref<100000xf32, #tpu.memory_space<vmem>> -> memref<6272xf32, #tpu.memory_space<vmem>>
      %dma_start3A_255 = arith.constant 87808 : i32
      %dma_start3A_256 = tpu.memref_slice %arg3[%select_n3A_106, %rem3A_108, %dma_start3A_255] : memref<26x32x100000xf32, #tpu.memory_space<hbm>> -> memref<1x1x6272xf32, #tpu.memory_space<hbm>>
      %dma_start3A_257 = tpu.memref_squeeze %dma_start3A_256 : memref<1x1x6272xf32, #tpu.memory_space<hbm>> -> memref<6272xf32, #tpu.memory_space<hbm>>
      tpu.enqueue_dma source(%dma_start3A_257 : memref<6272xf32, #tpu.memory_space<hbm>>) target(%dma_start3A_254 : memref<6272xf32, #tpu.memory_space<vmem>>) target_semaphore(%arg10 : memref<!tpu.dma_semaphore, #tpu.memory_space<semaphore_mem>>)
      %dma_start3A_258 = arith.constant 94080 : i32
      %dma_start3A_259 = tpu.memref_slice %arg7[%dma_start3A_258] : memref<100000xf32, #tpu.memory_space<vmem>> -> memref<5888xf32, #tpu.memory_space<vmem>>
      %dma_start3A_260 = arith.constant 94080 : i32
      %dma_start3A_261 = tpu.memref_slice %arg3[%select_n3A_106, %rem3A_108, %dma_start3A_260] : memref<26x32x100000xf32, #tpu.memory_space<hbm>> -> memref<1x1x5888xf32, #tpu.memory_space<hbm>>
      %dma_start3A_262 = tpu.memref_squeeze %dma_start3A_261 : memref<1x1x5888xf32, #tpu.memory_space<hbm>> -> memref<5888xf32, #tpu.memory_space<hbm>>
      %dma_start3A_263 = arith.constant 94080 : i32
      %dma_start3A_264 = tpu.memref_slice %arg7[%dma_start3A_263] : memref<100000xf32, #tpu.memory_space<vmem>> -> memref<5888xf32, #tpu.memory_space<vmem>>
      %dma_start3A_265 = arith.constant 94080 : i32
      %dma_start3A_266 = tpu.memref_slice %arg3[%select_n3A_106, %rem3A_108, %dma_start3A_265] : memref<26x32x100000xf32, #tpu.memory_space<hbm>> -> memref<1x1x5888xf32, #tpu.memory_space<hbm>>
      %dma_start3A_267 = tpu.memref_squeeze %dma_start3A_266 : memref<1x1x5888xf32, #tpu.memory_space<hbm>> -> memref<5888xf32, #tpu.memory_space<hbm>>
      tpu.enqueue_dma source(%dma_start3A_267 : memref<5888xf32, #tpu.memory_space<hbm>>) target(%dma_start3A_264 : memref<5888xf32, #tpu.memory_space<vmem>>) target_semaphore(%arg10 : memref<!tpu.dma_semaphore, #tpu.memory_space<semaphore_mem>>)
      %eq3A = arith.constant 0 : i32
      %eq3A_268 = arith.cmpi eq, %scan3A_81, %eq3A : i32
      %eq3A_269 = arith.constant 0 : i32
      %eq3A_270 = arith.cmpi eq, %rem3A_108, %eq3A_269 : i32
      %or3A = arith.ori %eq3A_268, %eq3A_270 : i1
      %convert_element_type3A = arith.extui %or3A : i1 to i32
      %cond3A = arith.constant 0 : i32
      %cond3A_271 = arith.cmpi ne, %convert_element_type3A, %cond3A : i32
      scf.if %cond3A_271 {
        "tpu.region"() ({
          %run_scoped3A = tpu.sem_alloc : memref<!tpu.dma_semaphore, #tpu.memory_space<semaphore_mem>>
          %dma_start3A_544 = arith.constant 0 : i32
          %dma_start3A_545 = tpu.memref_slice %arg2[%select_n3A_106, %dma_start3A_544] : memref<26x16384xi32, #tpu.memory_space<hbm>> -> memref<1x16384xi32, #tpu.memory_space<hbm>>
          %dma_start3A_546 = tpu.memref_squeeze %dma_start3A_545 : memref<1x16384xi32, #tpu.memory_space<hbm>> -> memref<16384xi32, #tpu.memory_space<hbm>>
          %dma_start3A_547 = arith.constant 0 : i32
          %dma_start3A_548 = tpu.memref_slice %arg2[%select_n3A_106, %dma_start3A_547] : memref<26x16384xi32, #tpu.memory_space<hbm>> -> memref<1x16384xi32, #tpu.memory_space<hbm>>
          %dma_start3A_549 = tpu.memref_squeeze %dma_start3A_548 : memref<1x16384xi32, #tpu.memory_space<hbm>> -> memref<16384xi32, #tpu.memory_space<hbm>>
          tpu.enqueue_dma source(%dma_start3A_549 : memref<16384xi32, #tpu.memory_space<hbm>>) target(%arg6 : memref<16384xi32, #tpu.memory_space<vmem>>) target_semaphore(%run_scoped3A : memref<!tpu.dma_semaphore, #tpu.memory_space<semaphore_mem>>)
          %dma_wait3A_550 = arith.constant 0 : i32
          %dma_wait3A_551 = tpu.memref_slice %arg2[%select_n3A_106, %dma_wait3A_550] : memref<26x16384xi32, #tpu.memory_space<hbm>> -> memref<1x16384xi32, #tpu.memory_space<hbm>>
          %dma_wait3A_552 = tpu.memref_squeeze %dma_wait3A_551 : memref<1x16384xi32, #tpu.memory_space<hbm>> -> memref<16384xi32, #tpu.memory_space<hbm>>
          %dma_wait3A_553 = arith.constant 0 : i32
          %dma_wait3A_554 = tpu.memref_slice %arg2[%select_n3A_106, %dma_wait3A_553] : memref<26x16384xi32, #tpu.memory_space<hbm>> -> memref<1x16384xi32, #tpu.memory_space<hbm>>
          %dma_wait3A_555 = tpu.memref_squeeze %dma_wait3A_554 : memref<1x16384xi32, #tpu.memory_space<hbm>> -> memref<16384xi32, #tpu.memory_space<hbm>>
          tpu.wait_dma2 semaphore(%run_scoped3A : memref<!tpu.dma_semaphore, #tpu.memory_space<semaphore_mem>>) src(%dma_wait3A_555 : memref<16384xi32, #tpu.memory_space<hbm>>) dst(%arg6 : memref<16384xi32, #tpu.memory_space<vmem>>)
          tpu.yield
        }) : () -> ()
        "tpu.region"() ({
          %run_scoped3A = tpu.sem_alloc : memref<!tpu.dma_semaphore, #tpu.memory_space<semaphore_mem>>
          %dma_start3A_544 = arith.constant 0 : i32
          %dma_start3A_545 = tpu.memref_slice %arg4[%select_n3A_106, %dma_start3A_544] : memref<26x1024xf32, #tpu.memory_space<hbm>> -> memref<1x1024xf32, #tpu.memory_space<hbm>>
          %dma_start3A_546 = tpu.memref_squeeze %dma_start3A_545 : memref<1x1024xf32, #tpu.memory_space<hbm>> -> memref<1024xf32, #tpu.memory_space<hbm>>
          %dma_start3A_547 = arith.constant 0 : i32
          %dma_start3A_548 = tpu.memref_slice %arg4[%select_n3A_106, %dma_start3A_547] : memref<26x1024xf32, #tpu.memory_space<hbm>> -> memref<1x1024xf32, #tpu.memory_space<hbm>>
          %dma_start3A_549 = tpu.memref_squeeze %dma_start3A_548 : memref<1x1024xf32, #tpu.memory_space<hbm>> -> memref<1024xf32, #tpu.memory_space<hbm>>
          tpu.enqueue_dma source(%dma_start3A_549 : memref<1024xf32, #tpu.memory_space<hbm>>) target(%arg9 : memref<1024xf32, #tpu.memory_space<vmem>>) target_semaphore(%run_scoped3A : memref<!tpu.dma_semaphore, #tpu.memory_space<semaphore_mem>>)
          %dma_wait3A_550 = arith.constant 0 : i32
          %dma_wait3A_551 = tpu.memref_slice %arg4[%select_n3A_106, %dma_wait3A_550] : memref<26x1024xf32, #tpu.memory_space<hbm>> -> memref<1x1024xf32, #tpu.memory_space<hbm>>
          %dma_wait3A_552 = tpu.memref_squeeze %dma_wait3A_551 : memref<1x1024xf32, #tpu.memory_space<hbm>> -> memref<1024xf32, #tpu.memory_space<hbm>>
          %dma_wait3A_553 = arith.constant 0 : i32
          %dma_wait3A_554 = tpu.memref_slice %arg4[%select_n3A_106, %dma_wait3A_553] : memref<26x1024xf32, #tpu.memory_space<hbm>> -> memref<1x1024xf32, #tpu.memory_space<hbm>>
          %dma_wait3A_555 = tpu.memref_squeeze %dma_wait3A_554 : memref<1x1024xf32, #tpu.memory_space<hbm>> -> memref<1024xf32, #tpu.memory_space<hbm>>
          tpu.wait_dma2 semaphore(%run_scoped3A : memref<!tpu.dma_semaphore, #tpu.memory_space<semaphore_mem>>) src(%dma_wait3A_555 : memref<1024xf32, #tpu.memory_space<hbm>>) dst(%arg9 : memref<1024xf32, #tpu.memory_space<vmem>>)
          tpu.yield
        }) : () -> ()
      } else {
      }
      %mul3A_272 = arith.constant 32 : i32
      %mul3A_273 = arith.muli %rem3A_108, %mul3A_272 : i32
      %add3A_274 = arith.constant 0 : i32
      %add3A_275 = arith.addi %mul3A_273, %add3A_274 : i32
      %get3A = arith.index_cast %add3A_275 : i32 to index
      %get3A_276 = tpu.vector_load %arg9[%get3A] {strides = array<i32>} : memref<1024xf32, #tpu.memory_space<vmem>>, vector<16xf32>,
      %swap3A = arith.constant 99968 : index
      %swap3A_277 = tpu.vector_load %arg7[%swap3A] {strides = array<i32>} : memref<100000xf32, #tpu.memory_space<vmem>>, vector<16xf32>,
      tpu.vector_store %arg7[%swap3A], %get3A_276 {strides = array<i32>} : memref<100000xf32, #tpu.memory_space<vmem>>, vector<16xf32>,
      %mul3A_278 = arith.constant 32 : i32
      %mul3A_279 = arith.muli %rem3A_108, %mul3A_278 : i32
      %add3A_280 = arith.constant 16 : i32
      %add3A_281 = arith.addi %mul3A_279, %add3A_280 : i32
      %get3A_282 = arith.index_cast %add3A_281 : i32 to index
      %get3A_283 = tpu.vector_load %arg9[%get3A_282] {strides = array<i32>} : memref<1024xf32, #tpu.memory_space<vmem>>, vector<16xf32>,
      %swap3A_284 = arith.constant 99984 : index
      %swap3A_285 = tpu.vector_load %arg7[%swap3A_284] {strides = array<i32>} : memref<100000xf32, #tpu.memory_space<vmem>>, vector<16xf32>,
      tpu.vector_store %arg7[%swap3A_284], %get3A_283 {strides = array<i32>} : memref<100000xf32, #tpu.memory_space<vmem>>, vector<16xf32>,
      %dma_wait3A_286 = arith.constant 0 : i32
      %dma_wait3A_287 = tpu.memref_slice %arg7[%dma_wait3A_286] : memref<100000xf32, #tpu.memory_space<vmem>> -> memref<6272xf32, #tpu.memory_space<vmem>>
      %dma_wait3A_288 = arith.constant 0 : i32
      %dma_wait3A_289 = tpu.memref_slice %arg3[%select_n3A_106, %rem3A_108, %dma_wait3A_288] : memref<26x32x100000xf32, #tpu.memory_space<hbm>> -> memref<1x1x6272xf32, #tpu.memory_space<hbm>>
      %dma_wait3A_290 = tpu.memref_squeeze %dma_wait3A_289 : memref<1x1x6272xf32, #tpu.memory_space<hbm>> -> memref<6272xf32, #tpu.memory_space<hbm>>
      %dma_wait3A_291 = arith.constant 0 : i32
      %dma_wait3A_292 = tpu.memref_slice %arg7[%dma_wait3A_291] : memref<100000xf32, #tpu.memory_space<vmem>> -> memref<6272xf32, #tpu.memory_space<vmem>>
      %dma_wait3A_293 = arith.constant 0 : i32
      %dma_wait3A_294 = tpu.memref_slice %arg3[%select_n3A_106, %rem3A_108, %dma_wait3A_293] : memref<26x32x100000xf32, #tpu.memory_space<hbm>> -> memref<1x1x6272xf32, #tpu.memory_space<hbm>>
      %dma_wait3A_295 = tpu.memref_squeeze %dma_wait3A_294 : memref<1x1x6272xf32, #tpu.memory_space<hbm>> -> memref<6272xf32, #tpu.memory_space<hbm>>
      tpu.wait_dma2 semaphore(%arg10 : memref<!tpu.dma_semaphore, #tpu.memory_space<semaphore_mem>>) src(%dma_wait3A_295 : memref<6272xf32, #tpu.memory_space<hbm>>) dst(%dma_wait3A_292 : memref<6272xf32, #tpu.memory_space<vmem>>)
      %dma_wait3A_296 = arith.constant 6272 : i32
      %dma_wait3A_297 = tpu.memref_slice %arg7[%dma_wait3A_296] : memref<100000xf32, #tpu.memory_space<vmem>> -> memref<6272xf32, #tpu.memory_space<vmem>>
      %dma_wait3A_298 = arith.constant 6272 : i32
      %dma_wait3A_299 = tpu.memref_slice %arg3[%select_n3A_106, %rem3A_108, %dma_wait3A_298] : memref<26x32x100000xf32, #tpu.memory_space<hbm>> -> memref<1x1x6272xf32, #tpu.memory_space<hbm>>
      %dma_wait3A_300 = tpu.memref_squeeze %dma_wait3A_299 : memref<1x1x6272xf32, #tpu.memory_space<hbm>> -> memref<6272xf32, #tpu.memory_space<hbm>>
      %dma_wait3A_301 = arith.constant 6272 : i32
      %dma_wait3A_302 = tpu.memref_slice %arg7[%dma_wait3A_301] : memref<100000xf32, #tpu.memory_space<vmem>> -> memref<6272xf32, #tpu.memory_space<vmem>>
      %dma_wait3A_303 = arith.constant 6272 : i32
      %dma_wait3A_304 = tpu.memref_slice %arg3[%select_n3A_106, %rem3A_108, %dma_wait3A_303] : memref<26x32x100000xf32, #tpu.memory_space<hbm>> -> memref<1x1x6272xf32, #tpu.memory_space<hbm>>
      %dma_wait3A_305 = tpu.memref_squeeze %dma_wait3A_304 : memref<1x1x6272xf32, #tpu.memory_space<hbm>> -> memref<6272xf32, #tpu.memory_space<hbm>>
      tpu.wait_dma2 semaphore(%arg10 : memref<!tpu.dma_semaphore, #tpu.memory_space<semaphore_mem>>) src(%dma_wait3A_305 : memref<6272xf32, #tpu.memory_space<hbm>>) dst(%dma_wait3A_302 : memref<6272xf32, #tpu.memory_space<vmem>>)
      %dma_wait3A_306 = arith.constant 12544 : i32
      %dma_wait3A_307 = tpu.memref_slice %arg7[%dma_wait3A_306] : memref<100000xf32, #tpu.memory_space<vmem>> -> memref<6272xf32, #tpu.memory_space<vmem>>
      %dma_wait3A_308 = arith.constant 12544 : i32
      %dma_wait3A_309 = tpu.memref_slice %arg3[%select_n3A_106, %rem3A_108, %dma_wait3A_308] : memref<26x32x100000xf32, #tpu.memory_space<hbm>> -> memref<1x1x6272xf32, #tpu.memory_space<hbm>>
      %dma_wait3A_310 = tpu.memref_squeeze %dma_wait3A_309 : memref<1x1x6272xf32, #tpu.memory_space<hbm>> -> memref<6272xf32, #tpu.memory_space<hbm>>
      %dma_wait3A_311 = arith.constant 12544 : i32
      %dma_wait3A_312 = tpu.memref_slice %arg7[%dma_wait3A_311] : memref<100000xf32, #tpu.memory_space<vmem>> -> memref<6272xf32, #tpu.memory_space<vmem>>
      %dma_wait3A_313 = arith.constant 12544 : i32
      %dma_wait3A_314 = tpu.memref_slice %arg3[%select_n3A_106, %rem3A_108, %dma_wait3A_313] : memref<26x32x100000xf32, #tpu.memory_space<hbm>> -> memref<1x1x6272xf32, #tpu.memory_space<hbm>>
      %dma_wait3A_315 = tpu.memref_squeeze %dma_wait3A_314 : memref<1x1x6272xf32, #tpu.memory_space<hbm>> -> memref<6272xf32, #tpu.memory_space<hbm>>
      tpu.wait_dma2 semaphore(%arg10 : memref<!tpu.dma_semaphore, #tpu.memory_space<semaphore_mem>>) src(%dma_wait3A_315 : memref<6272xf32, #tpu.memory_space<hbm>>) dst(%dma_wait3A_312 : memref<6272xf32, #tpu.memory_space<vmem>>)
      %dma_wait3A_316 = arith.constant 18816 : i32
      %dma_wait3A_317 = tpu.memref_slice %arg7[%dma_wait3A_316] : memref<100000xf32, #tpu.memory_space<vmem>> -> memref<6272xf32, #tpu.memory_space<vmem>>
      %dma_wait3A_318 = arith.constant 18816 : i32
      %dma_wait3A_319 = tpu.memref_slice %arg3[%select_n3A_106, %rem3A_108, %dma_wait3A_318] : memref<26x32x100000xf32, #tpu.memory_space<hbm>> -> memref<1x1x6272xf32, #tpu.memory_space<hbm>>
      %dma_wait3A_320 = tpu.memref_squeeze %dma_wait3A_319 : memref<1x1x6272xf32, #tpu.memory_space<hbm>> -> memref<6272xf32, #tpu.memory_space<hbm>>
      %dma_wait3A_321 = arith.constant 18816 : i32
      %dma_wait3A_322 = tpu.memref_slice %arg7[%dma_wait3A_321] : memref<100000xf32, #tpu.memory_space<vmem>> -> memref<6272xf32, #tpu.memory_space<vmem>>
      %dma_wait3A_323 = arith.constant 18816 : i32
      %dma_wait3A_324 = tpu.memref_slice %arg3[%select_n3A_106, %rem3A_108, %dma_wait3A_323] : memref<26x32x100000xf32, #tpu.memory_space<hbm>> -> memref<1x1x6272xf32, #tpu.memory_space<hbm>>
      %dma_wait3A_325 = tpu.memref_squeeze %dma_wait3A_324 : memref<1x1x6272xf32, #tpu.memory_space<hbm>> -> memref<6272xf32, #tpu.memory_space<hbm>>
      tpu.wait_dma2 semaphore(%arg10 : memref<!tpu.dma_semaphore, #tpu.memory_space<semaphore_mem>>) src(%dma_wait3A_325 : memref<6272xf32, #tpu.memory_space<hbm>>) dst(%dma_wait3A_322 : memref<6272xf32, #tpu.memory_space<vmem>>)
      %dma_wait3A_326 = arith.constant 25088 : i32
      %dma_wait3A_327 = tpu.memref_slice %arg7[%dma_wait3A_326] : memref<100000xf32, #tpu.memory_space<vmem>> -> memref<6272xf32, #tpu.memory_space<vmem>>
      %dma_wait3A_328 = arith.constant 25088 : i32
      %dma_wait3A_329 = tpu.memref_slice %arg3[%select_n3A_106, %rem3A_108, %dma_wait3A_328] : memref<26x32x100000xf32, #tpu.memory_space<hbm>> -> memref<1x1x6272xf32, #tpu.memory_space<hbm>>
      %dma_wait3A_330 = tpu.memref_squeeze %dma_wait3A_329 : memref<1x1x6272xf32, #tpu.memory_space<hbm>> -> memref<6272xf32, #tpu.memory_space<hbm>>
      %dma_wait3A_331 = arith.constant 25088 : i32
      %dma_wait3A_332 = tpu.memref_slice %arg7[%dma_wait3A_331] : memref<100000xf32, #tpu.memory_space<vmem>> -> memref<6272xf32, #tpu.memory_space<vmem>>
      %dma_wait3A_333 = arith.constant 25088 : i32
      %dma_wait3A_334 = tpu.memref_slice %arg3[%select_n3A_106, %rem3A_108, %dma_wait3A_333] : memref<26x32x100000xf32, #tpu.memory_space<hbm>> -> memref<1x1x6272xf32, #tpu.memory_space<hbm>>
      %dma_wait3A_335 = tpu.memref_squeeze %dma_wait3A_334 : memref<1x1x6272xf32, #tpu.memory_space<hbm>> -> memref<6272xf32, #tpu.memory_space<hbm>>
      tpu.wait_dma2 semaphore(%arg10 : memref<!tpu.dma_semaphore, #tpu.memory_space<semaphore_mem>>) src(%dma_wait3A_335 : memref<6272xf32, #tpu.memory_space<hbm>>) dst(%dma_wait3A_332 : memref<6272xf32, #tpu.memory_space<vmem>>)
      %dma_wait3A_336 = arith.constant 31360 : i32
      %dma_wait3A_337 = tpu.memref_slice %arg7[%dma_wait3A_336] : memref<100000xf32, #tpu.memory_space<vmem>> -> memref<6272xf32, #tpu.memory_space<vmem>>
      %dma_wait3A_338 = arith.constant 31360 : i32
      %dma_wait3A_339 = tpu.memref_slice %arg3[%select_n3A_106, %rem3A_108, %dma_wait3A_338] : memref<26x32x100000xf32, #tpu.memory_space<hbm>> -> memref<1x1x6272xf32, #tpu.memory_space<hbm>>
      %dma_wait3A_340 = tpu.memref_squeeze %dma_wait3A_339 : memref<1x1x6272xf32, #tpu.memory_space<hbm>> -> memref<6272xf32, #tpu.memory_space<hbm>>
      %dma_wait3A_341 = arith.constant 31360 : i32
      %dma_wait3A_342 = tpu.memref_slice %arg7[%dma_wait3A_341] : memref<100000xf32, #tpu.memory_space<vmem>> -> memref<6272xf32, #tpu.memory_space<vmem>>
      %dma_wait3A_343 = arith.constant 31360 : i32
      %dma_wait3A_344 = tpu.memref_slice %arg3[%select_n3A_106, %rem3A_108, %dma_wait3A_343] : memref<26x32x100000xf32, #tpu.memory_space<hbm>> -> memref<1x1x6272xf32, #tpu.memory_space<hbm>>
      %dma_wait3A_345 = tpu.memref_squeeze %dma_wait3A_344 : memref<1x1x6272xf32, #tpu.memory_space<hbm>> -> memref<6272xf32, #tpu.memory_space<hbm>>
      tpu.wait_dma2 semaphore(%arg10 : memref<!tpu.dma_semaphore, #tpu.memory_space<semaphore_mem>>) src(%dma_wait3A_345 : memref<6272xf32, #tpu.memory_space<hbm>>) dst(%dma_wait3A_342 : memref<6272xf32, #tpu.memory_space<vmem>>)
      %dma_wait3A_346 = arith.constant 37632 : i32
      %dma_wait3A_347 = tpu.memref_slice %arg7[%dma_wait3A_346] : memref<100000xf32, #tpu.memory_space<vmem>> -> memref<6272xf32, #tpu.memory_space<vmem>>
      %dma_wait3A_348 = arith.constant 37632 : i32
      %dma_wait3A_349 = tpu.memref_slice %arg3[%select_n3A_106, %rem3A_108, %dma_wait3A_348] : memref<26x32x100000xf32, #tpu.memory_space<hbm>> -> memref<1x1x6272xf32, #tpu.memory_space<hbm>>
      %dma_wait3A_350 = tpu.memref_squeeze %dma_wait3A_349 : memref<1x1x6272xf32, #tpu.memory_space<hbm>> -> memref<6272xf32, #tpu.memory_space<hbm>>
      %dma_wait3A_351 = arith.constant 37632 : i32
      %dma_wait3A_352 = tpu.memref_slice %arg7[%dma_wait3A_351] : memref<100000xf32, #tpu.memory_space<vmem>> -> memref<6272xf32, #tpu.memory_space<vmem>>
      %dma_wait3A_353 = arith.constant 37632 : i32
      %dma_wait3A_354 = tpu.memref_slice %arg3[%select_n3A_106, %rem3A_108, %dma_wait3A_353] : memref<26x32x100000xf32, #tpu.memory_space<hbm>> -> memref<1x1x6272xf32, #tpu.memory_space<hbm>>
      %dma_wait3A_355 = tpu.memref_squeeze %dma_wait3A_354 : memref<1x1x6272xf32, #tpu.memory_space<hbm>> -> memref<6272xf32, #tpu.memory_space<hbm>>
      tpu.wait_dma2 semaphore(%arg10 : memref<!tpu.dma_semaphore, #tpu.memory_space<semaphore_mem>>) src(%dma_wait3A_355 : memref<6272xf32, #tpu.memory_space<hbm>>) dst(%dma_wait3A_352 : memref<6272xf32, #tpu.memory_space<vmem>>)
      %dma_wait3A_356 = arith.constant 43904 : i32
      %dma_wait3A_357 = tpu.memref_slice %arg7[%dma_wait3A_356] : memref<100000xf32, #tpu.memory_space<vmem>> -> memref<6272xf32, #tpu.memory_space<vmem>>
      %dma_wait3A_358 = arith.constant 43904 : i32
      %dma_wait3A_359 = tpu.memref_slice %arg3[%select_n3A_106, %rem3A_108, %dma_wait3A_358] : memref<26x32x100000xf32, #tpu.memory_space<hbm>> -> memref<1x1x6272xf32, #tpu.memory_space<hbm>>
      %dma_wait3A_360 = tpu.memref_squeeze %dma_wait3A_359 : memref<1x1x6272xf32, #tpu.memory_space<hbm>> -> memref<6272xf32, #tpu.memory_space<hbm>>
      %dma_wait3A_361 = arith.constant 43904 : i32
      %dma_wait3A_362 = tpu.memref_slice %arg7[%dma_wait3A_361] : memref<100000xf32, #tpu.memory_space<vmem>> -> memref<6272xf32, #tpu.memory_space<vmem>>
      %dma_wait3A_363 = arith.constant 43904 : i32
      %dma_wait3A_364 = tpu.memref_slice %arg3[%select_n3A_106, %rem3A_108, %dma_wait3A_363] : memref<26x32x100000xf32, #tpu.memory_space<hbm>> -> memref<1x1x6272xf32, #tpu.memory_space<hbm>>
      %dma_wait3A_365 = tpu.memref_squeeze %dma_wait3A_364 : memref<1x1x6272xf32, #tpu.memory_space<hbm>> -> memref<6272xf32, #tpu.memory_space<hbm>>
      tpu.wait_dma2 semaphore(%arg10 : memref<!tpu.dma_semaphore, #tpu.memory_space<semaphore_mem>>) src(%dma_wait3A_365 : memref<6272xf32, #tpu.memory_space<hbm>>) dst(%dma_wait3A_362 : memref<6272xf32, #tpu.memory_space<vmem>>)
      %dma_wait3A_366 = arith.constant 50176 : i32
      %dma_wait3A_367 = tpu.memref_slice %arg7[%dma_wait3A_366] : memref<100000xf32, #tpu.memory_space<vmem>> -> memref<6272xf32, #tpu.memory_space<vmem>>
      %dma_wait3A_368 = arith.constant 50176 : i32
      %dma_wait3A_369 = tpu.memref_slice %arg3[%select_n3A_106, %rem3A_108, %dma_wait3A_368] : memref<26x32x100000xf32, #tpu.memory_space<hbm>> -> memref<1x1x6272xf32, #tpu.memory_space<hbm>>
      %dma_wait3A_370 = tpu.memref_squeeze %dma_wait3A_369 : memref<1x1x6272xf32, #tpu.memory_space<hbm>> -> memref<6272xf32, #tpu.memory_space<hbm>>
      %dma_wait3A_371 = arith.constant 50176 : i32
      %dma_wait3A_372 = tpu.memref_slice %arg7[%dma_wait3A_371] : memref<100000xf32, #tpu.memory_space<vmem>> -> memref<6272xf32, #tpu.memory_space<vmem>>
      %dma_wait3A_373 = arith.constant 50176 : i32
      %dma_wait3A_374 = tpu.memref_slice %arg3[%select_n3A_106, %rem3A_108, %dma_wait3A_373] : memref<26x32x100000xf32, #tpu.memory_space<hbm>> -> memref<1x1x6272xf32, #tpu.memory_space<hbm>>
      %dma_wait3A_375 = tpu.memref_squeeze %dma_wait3A_374 : memref<1x1x6272xf32, #tpu.memory_space<hbm>> -> memref<6272xf32, #tpu.memory_space<hbm>>
      tpu.wait_dma2 semaphore(%arg10 : memref<!tpu.dma_semaphore, #tpu.memory_space<semaphore_mem>>) src(%dma_wait3A_375 : memref<6272xf32, #tpu.memory_space<hbm>>) dst(%dma_wait3A_372 : memref<6272xf32, #tpu.memory_space<vmem>>)
      %dma_wait3A_376 = arith.constant 56448 : i32
      %dma_wait3A_377 = tpu.memref_slice %arg7[%dma_wait3A_376] : memref<100000xf32, #tpu.memory_space<vmem>> -> memref<6272xf32, #tpu.memory_space<vmem>>
      %dma_wait3A_378 = arith.constant 56448 : i32
      %dma_wait3A_379 = tpu.memref_slice %arg3[%select_n3A_106, %rem3A_108, %dma_wait3A_378] : memref<26x32x100000xf32, #tpu.memory_space<hbm>> -> memref<1x1x6272xf32, #tpu.memory_space<hbm>>
      %dma_wait3A_380 = tpu.memref_squeeze %dma_wait3A_379 : memref<1x1x6272xf32, #tpu.memory_space<hbm>> -> memref<6272xf32, #tpu.memory_space<hbm>>
      %dma_wait3A_381 = arith.constant 56448 : i32
      %dma_wait3A_382 = tpu.memref_slice %arg7[%dma_wait3A_381] : memref<100000xf32, #tpu.memory_space<vmem>> -> memref<6272xf32, #tpu.memory_space<vmem>>
      %dma_wait3A_383 = arith.constant 56448 : i32
      %dma_wait3A_384 = tpu.memref_slice %arg3[%select_n3A_106, %rem3A_108, %dma_wait3A_383] : memref<26x32x100000xf32, #tpu.memory_space<hbm>> -> memref<1x1x6272xf32, #tpu.memory_space<hbm>>
      %dma_wait3A_385 = tpu.memref_squeeze %dma_wait3A_384 : memref<1x1x6272xf32, #tpu.memory_space<hbm>> -> memref<6272xf32, #tpu.memory_space<hbm>>
      tpu.wait_dma2 semaphore(%arg10 : memref<!tpu.dma_semaphore, #tpu.memory_space<semaphore_mem>>) src(%dma_wait3A_385 : memref<6272xf32, #tpu.memory_space<hbm>>) dst(%dma_wait3A_382 : memref<6272xf32, #tpu.memory_space<vmem>>)
      %dma_wait3A_386 = arith.constant 62720 : i32
      %dma_wait3A_387 = tpu.memref_slice %arg7[%dma_wait3A_386] : memref<100000xf32, #tpu.memory_space<vmem>> -> memref<6272xf32, #tpu.memory_space<vmem>>
      %dma_wait3A_388 = arith.constant 62720 : i32
      %dma_wait3A_389 = tpu.memref_slice %arg3[%select_n3A_106, %rem3A_108, %dma_wait3A_388] : memref<26x32x100000xf32, #tpu.memory_space<hbm>> -> memref<1x1x6272xf32, #tpu.memory_space<hbm>>
      %dma_wait3A_390 = tpu.memref_squeeze %dma_wait3A_389 : memref<1x1x6272xf32, #tpu.memory_space<hbm>> -> memref<6272xf32, #tpu.memory_space<hbm>>
      %dma_wait3A_391 = arith.constant 62720 : i32
      %dma_wait3A_392 = tpu.memref_slice %arg7[%dma_wait3A_391] : memref<100000xf32, #tpu.memory_space<vmem>> -> memref<6272xf32, #tpu.memory_space<vmem>>
      %dma_wait3A_393 = arith.constant 62720 : i32
      %dma_wait3A_394 = tpu.memref_slice %arg3[%select_n3A_106, %rem3A_108, %dma_wait3A_393] : memref<26x32x100000xf32, #tpu.memory_space<hbm>> -> memref<1x1x6272xf32, #tpu.memory_space<hbm>>
      %dma_wait3A_395 = tpu.memref_squeeze %dma_wait3A_394 : memref<1x1x6272xf32, #tpu.memory_space<hbm>> -> memref<6272xf32, #tpu.memory_space<hbm>>
      tpu.wait_dma2 semaphore(%arg10 : memref<!tpu.dma_semaphore, #tpu.memory_space<semaphore_mem>>) src(%dma_wait3A_395 : memref<6272xf32, #tpu.memory_space<hbm>>) dst(%dma_wait3A_392 : memref<6272xf32, #tpu.memory_space<vmem>>)
      %dma_wait3A_396 = arith.constant 68992 : i32
      %dma_wait3A_397 = tpu.memref_slice %arg7[%dma_wait3A_396] : memref<100000xf32, #tpu.memory_space<vmem>> -> memref<6272xf32, #tpu.memory_space<vmem>>
      %dma_wait3A_398 = arith.constant 68992 : i32
      %dma_wait3A_399 = tpu.memref_slice %arg3[%select_n3A_106, %rem3A_108, %dma_wait3A_398] : memref<26x32x100000xf32, #tpu.memory_space<hbm>> -> memref<1x1x6272xf32, #tpu.memory_space<hbm>>
      %dma_wait3A_400 = tpu.memref_squeeze %dma_wait3A_399 : memref<1x1x6272xf32, #tpu.memory_space<hbm>> -> memref<6272xf32, #tpu.memory_space<hbm>>
      %dma_wait3A_401 = arith.constant 68992 : i32
      %dma_wait3A_402 = tpu.memref_slice %arg7[%dma_wait3A_401] : memref<100000xf32, #tpu.memory_space<vmem>> -> memref<6272xf32, #tpu.memory_space<vmem>>
      %dma_wait3A_403 = arith.constant 68992 : i32
      %dma_wait3A_404 = tpu.memref_slice %arg3[%select_n3A_106, %rem3A_108, %dma_wait3A_403] : memref<26x32x100000xf32, #tpu.memory_space<hbm>> -> memref<1x1x6272xf32, #tpu.memory_space<hbm>>
      %dma_wait3A_405 = tpu.memref_squeeze %dma_wait3A_404 : memref<1x1x6272xf32, #tpu.memory_space<hbm>> -> memref<6272xf32, #tpu.memory_space<hbm>>
      tpu.wait_dma2 semaphore(%arg10 : memref<!tpu.dma_semaphore, #tpu.memory_space<semaphore_mem>>) src(%dma_wait3A_405 : memref<6272xf32, #tpu.memory_space<hbm>>) dst(%dma_wait3A_402 : memref<6272xf32, #tpu.memory_space<vmem>>)
      %dma_wait3A_406 = arith.constant 75264 : i32
      %dma_wait3A_407 = tpu.memref_slice %arg7[%dma_wait3A_406] : memref<100000xf32, #tpu.memory_space<vmem>> -> memref<6272xf32, #tpu.memory_space<vmem>>
      %dma_wait3A_408 = arith.constant 75264 : i32
      %dma_wait3A_409 = tpu.memref_slice %arg3[%select_n3A_106, %rem3A_108, %dma_wait3A_408] : memref<26x32x100000xf32, #tpu.memory_space<hbm>> -> memref<1x1x6272xf32, #tpu.memory_space<hbm>>
      %dma_wait3A_410 = tpu.memref_squeeze %dma_wait3A_409 : memref<1x1x6272xf32, #tpu.memory_space<hbm>> -> memref<6272xf32, #tpu.memory_space<hbm>>
      %dma_wait3A_411 = arith.constant 75264 : i32
      %dma_wait3A_412 = tpu.memref_slice %arg7[%dma_wait3A_411] : memref<100000xf32, #tpu.memory_space<vmem>> -> memref<6272xf32, #tpu.memory_space<vmem>>
      %dma_wait3A_413 = arith.constant 75264 : i32
      %dma_wait3A_414 = tpu.memref_slice %arg3[%select_n3A_106, %rem3A_108, %dma_wait3A_413] : memref<26x32x100000xf32, #tpu.memory_space<hbm>> -> memref<1x1x6272xf32, #tpu.memory_space<hbm>>
      %dma_wait3A_415 = tpu.memref_squeeze %dma_wait3A_414 : memref<1x1x6272xf32, #tpu.memory_space<hbm>> -> memref<6272xf32, #tpu.memory_space<hbm>>
      tpu.wait_dma2 semaphore(%arg10 : memref<!tpu.dma_semaphore, #tpu.memory_space<semaphore_mem>>) src(%dma_wait3A_415 : memref<6272xf32, #tpu.memory_space<hbm>>) dst(%dma_wait3A_412 : memref<6272xf32, #tpu.memory_space<vmem>>)
      %dma_wait3A_416 = arith.constant 81536 : i32
      %dma_wait3A_417 = tpu.memref_slice %arg7[%dma_wait3A_416] : memref<100000xf32, #tpu.memory_space<vmem>> -> memref<6272xf32, #tpu.memory_space<vmem>>
      %dma_wait3A_418 = arith.constant 81536 : i32
      %dma_wait3A_419 = tpu.memref_slice %arg3[%select_n3A_106, %rem3A_108, %dma_wait3A_418] : memref<26x32x100000xf32, #tpu.memory_space<hbm>> -> memref<1x1x6272xf32, #tpu.memory_space<hbm>>
      %dma_wait3A_420 = tpu.memref_squeeze %dma_wait3A_419 : memref<1x1x6272xf32, #tpu.memory_space<hbm>> -> memref<6272xf32, #tpu.memory_space<hbm>>
      %dma_wait3A_421 = arith.constant 81536 : i32
      %dma_wait3A_422 = tpu.memref_slice %arg7[%dma_wait3A_421] : memref<100000xf32, #tpu.memory_space<vmem>> -> memref<6272xf32, #tpu.memory_space<vmem>>
      %dma_wait3A_423 = arith.constant 81536 : i32
      %dma_wait3A_424 = tpu.memref_slice %arg3[%select_n3A_106, %rem3A_108, %dma_wait3A_423] : memref<26x32x100000xf32, #tpu.memory_space<hbm>> -> memref<1x1x6272xf32, #tpu.memory_space<hbm>>
      %dma_wait3A_425 = tpu.memref_squeeze %dma_wait3A_424 : memref<1x1x6272xf32, #tpu.memory_space<hbm>> -> memref<6272xf32, #tpu.memory_space<hbm>>
      tpu.wait_dma2 semaphore(%arg10 : memref<!tpu.dma_semaphore, #tpu.memory_space<semaphore_mem>>) src(%dma_wait3A_425 : memref<6272xf32, #tpu.memory_space<hbm>>) dst(%dma_wait3A_422 : memref<6272xf32, #tpu.memory_space<vmem>>)
      %dma_wait3A_426 = arith.constant 87808 : i32
      %dma_wait3A_427 = tpu.memref_slice %arg7[%dma_wait3A_426] : memref<100000xf32, #tpu.memory_space<vmem>> -> memref<6272xf32, #tpu.memory_space<vmem>>
      %dma_wait3A_428 = arith.constant 87808 : i32
      %dma_wait3A_429 = tpu.memref_slice %arg3[%select_n3A_106, %rem3A_108, %dma_wait3A_428] : memref<26x32x100000xf32, #tpu.memory_space<hbm>> -> memref<1x1x6272xf32, #tpu.memory_space<hbm>>
      %dma_wait3A_430 = tpu.memref_squeeze %dma_wait3A_429 : memref<1x1x6272xf32, #tpu.memory_space<hbm>> -> memref<6272xf32, #tpu.memory_space<hbm>>
      %dma_wait3A_431 = arith.constant 87808 : i32
      %dma_wait3A_432 = tpu.memref_slice %arg7[%dma_wait3A_431] : memref<100000xf32, #tpu.memory_space<vmem>> -> memref<6272xf32, #tpu.memory_space<vmem>>
      %dma_wait3A_433 = arith.constant 87808 : i32
      %dma_wait3A_434 = tpu.memref_slice %arg3[%select_n3A_106, %rem3A_108, %dma_wait3A_433] : memref<26x32x100000xf32, #tpu.memory_space<hbm>> -> memref<1x1x6272xf32, #tpu.memory_space<hbm>>
      %dma_wait3A_435 = tpu.memref_squeeze %dma_wait3A_434 : memref<1x1x6272xf32, #tpu.memory_space<hbm>> -> memref<6272xf32, #tpu.memory_space<hbm>>
      tpu.wait_dma2 semaphore(%arg10 : memref<!tpu.dma_semaphore, #tpu.memory_space<semaphore_mem>>) src(%dma_wait3A_435 : memref<6272xf32, #tpu.memory_space<hbm>>) dst(%dma_wait3A_432 : memref<6272xf32, #tpu.memory_space<vmem>>)
      %dma_wait3A_436 = arith.constant 94080 : i32
      %dma_wait3A_437 = tpu.memref_slice %arg7[%dma_wait3A_436] : memref<100000xf32, #tpu.memory_space<vmem>> -> memref<5888xf32, #tpu.memory_space<vmem>>
      %dma_wait3A_438 = arith.constant 94080 : i32
      %dma_wait3A_439 = tpu.memref_slice %arg3[%select_n3A_106, %rem3A_108, %dma_wait3A_438] : memref<26x32x100000xf32, #tpu.memory_space<hbm>> -> memref<1x1x5888xf32, #tpu.memory_space<hbm>>
      %dma_wait3A_440 = tpu.memref_squeeze %dma_wait3A_439 : memref<1x1x5888xf32, #tpu.memory_space<hbm>> -> memref<5888xf32, #tpu.memory_space<hbm>>
      %dma_wait3A_441 = arith.constant 94080 : i32
      %dma_wait3A_442 = tpu.memref_slice %arg7[%dma_wait3A_441] : memref<100000xf32, #tpu.memory_space<vmem>> -> memref<5888xf32, #tpu.memory_space<vmem>>
      %dma_wait3A_443 = arith.constant 94080 : i32
      %dma_wait3A_444 = tpu.memref_slice %arg3[%select_n3A_106, %rem3A_108, %dma_wait3A_443] : memref<26x32x100000xf32, #tpu.memory_space<hbm>> -> memref<1x1x5888xf32, #tpu.memory_space<hbm>>
      %dma_wait3A_445 = tpu.memref_squeeze %dma_wait3A_444 : memref<1x1x5888xf32, #tpu.memory_space<hbm>> -> memref<5888xf32, #tpu.memory_space<hbm>>
      tpu.wait_dma2 semaphore(%arg10 : memref<!tpu.dma_semaphore, #tpu.memory_space<semaphore_mem>>) src(%dma_wait3A_445 : memref<5888xf32, #tpu.memory_space<hbm>>) dst(%dma_wait3A_442 : memref<5888xf32, #tpu.memory_space<vmem>>)
      %gt3A = arith.constant 0 : i32
      %gt3A_446 = arith.cmpi sgt, %scan3A_81, %gt3A : i32
      %convert_element_type3A_447 = arith.extui %gt3A_446 : i1 to i32
      %cond3A_448 = arith.constant 0 : i32
      %cond3A_449 = arith.cmpi ne, %convert_element_type3A_447, %cond3A_448 : i32
      scf.if %cond3A_449 {
        %dma_wait3A_544 = arith.constant 0 : i32
        %dma_wait3A_545 = arith.constant 0 : i32
        %dma_wait3A_546 = tpu.memref_slice %arg8[%dma_wait3A_544, %dma_wait3A_545] : memref<2x4096xf32, #tpu.memory_space<vmem>> -> memref<1x4096xf32, #tpu.memory_space<vmem>>
        %dma_wait3A_547 = tpu.memref_squeeze %dma_wait3A_546 : memref<1x4096xf32, #tpu.memory_space<vmem>> -> memref<4096xf32, #tpu.memory_space<vmem>>
        %dma_wait3A_548 = arith.constant 0 : i32
        %dma_wait3A_549 = tpu.memref_slice %arg5[%select_n3A_106, %rem3A_108, %dma_wait3A_548] : memref<26x32x16384xf32, #tpu.memory_space<hbm>> -> memref<1x1x4096xf32, #tpu.memory_space<hbm>>
        %dma_wait3A_550 = tpu.memref_squeeze %dma_wait3A_549 : memref<1x1x4096xf32, #tpu.memory_space<hbm>> -> memref<4096xf32, #tpu.memory_space<hbm>>
        %dma_wait3A_551 = arith.constant 0 : i32
        %dma_wait3A_552 = tpu.memref_slice %arg5[%select_n3A_106, %rem3A_108, %dma_wait3A_551] : memref<26x32x16384xf32, #tpu.memory_space<hbm>> -> memref<1x1x4096xf32, #tpu.memory_space<hbm>>
        %dma_wait3A_553 = tpu.memref_squeeze %dma_wait3A_552 : memref<1x1x4096xf32, #tpu.memory_space<hbm>> -> memref<4096xf32, #tpu.memory_space<hbm>>
        %dma_wait3A_554 = arith.constant 0 : i32
        %dma_wait3A_555 = tpu.memref_slice %arg8[%dma_wait3A_544, %dma_wait3A_554] : memref<2x4096xf32, #tpu.memory_space<vmem>> -> memref<1x4096xf32, #tpu.memory_space<vmem>>
        %dma_wait3A_556 = tpu.memref_squeeze %dma_wait3A_555 : memref<1x4096xf32, #tpu.memory_space<vmem>> -> memref<4096xf32, #tpu.memory_space<vmem>>
        tpu.wait_dma2 semaphore(%arg11 : memref<!tpu.dma_semaphore, #tpu.memory_space<semaphore_mem>>) src(%dma_wait3A_556 : memref<4096xf32, #tpu.memory_space<vmem>>) dst(%dma_wait3A_553 : memref<4096xf32, #tpu.memory_space<hbm>>)
      } else {
      }
      %parallel_loop3A = arith.constant 0 : i32
      %parallel_loop3A_450 = arith.constant 256 : i32
      %parallel_loop3A_451 = arith.constant 1 : i32
      scf.for %parallel_loop3A_544 = %parallel_loop3A to %parallel_loop3A_450 step %parallel_loop3A_451  : i32 {
        %parallel_loop3A_545 = arith.constant 16 : i32
        %parallel_loop3A_546 = arith.muli %parallel_loop3A_544, %parallel_loop3A_545 : i32
        %parallel_loop3A_547 = arith.constant 0 : i32
        %parallel_loop3A_548 = arith.addi %parallel_loop3A_547, %parallel_loop3A_546 : i32
        %parallel_loop3A_549 = arith.index_cast %parallel_loop3A_548 : i32 to index
        %parallel_loop3A_550 = tpu.vector_load %arg6[%parallel_loop3A_549] {strides = array<i32>} : memref<16384xi32, #tpu.memory_space<vmem>>, vector<16xi32>,
        %parallel_loop3A_551 = tpu.vector_load_idx %arg7[%parallel_loop3A_550] : memref<100000xf32, #tpu.memory_space<vmem>>[vector<16xi32>], vector<16xf32>,
        %parallel_loop3A_552 = arith.constant 16 : i32
        %parallel_loop3A_553 = arith.muli %parallel_loop3A_544, %parallel_loop3A_552 : i32
        %parallel_loop3A_554 = arith.constant 0 : i32
        %parallel_loop3A_555 = arith.index_cast %parallel_loop3A_554 : i32 to index
        %parallel_loop3A_556 = arith.index_cast %parallel_loop3A_553 : i32 to index
        %parallel_loop3A_557 = tpu.vector_load %arg8[%parallel_loop3A_555, %parallel_loop3A_556] {strides = array<i32>} : memref<2x4096xf32, #tpu.memory_space<vmem>>, vector<16xf32>,
        tpu.vector_store %arg8[%parallel_loop3A_555, %parallel_loop3A_556], %parallel_loop3A_551 {strides = array<i32>} : memref<2x4096xf32, #tpu.memory_space<vmem>>, vector<16xf32>,
      } {sc.loop_unroll_factor = 16 : i64, sc.parallel_access}
      %dma_start3A_452 = arith.constant 0 : i32
      %dma_start3A_453 = arith.constant 0 : i32
      %dma_start3A_454 = tpu.memref_slice %arg8[%dma_start3A_452, %dma_start3A_453] : memref<2x4096xf32, #tpu.memory_space<vmem>> -> memref<1x4096xf32, #tpu.memory_space<vmem>>
      %dma_start3A_455 = tpu.memref_squeeze %dma_start3A_454 : memref<1x4096xf32, #tpu.memory_space<vmem>> -> memref<4096xf32, #tpu.memory_space<vmem>>
      %dma_start3A_456 = arith.constant 0 : i32
      %dma_start3A_457 = tpu.memref_slice %arg5[%select_n3A_106, %rem3A_108, %dma_start3A_456] : memref<26x32x16384xf32, #tpu.memory_space<hbm>> -> memref<1x1x4096xf32, #tpu.memory_space<hbm>>
      %dma_start3A_458 = tpu.memref_squeeze %dma_start3A_457 : memref<1x1x4096xf32, #tpu.memory_space<hbm>> -> memref<4096xf32, #tpu.memory_space<hbm>>
      %dma_start3A_459 = arith.constant 0 : i32
      %dma_start3A_460 = tpu.memref_slice %arg5[%select_n3A_106, %rem3A_108, %dma_start3A_459] : memref<26x32x16384xf32, #tpu.memory_space<hbm>> -> memref<1x1x4096xf32, #tpu.memory_space<hbm>>
      %dma_start3A_461 = tpu.memref_squeeze %dma_start3A_460 : memref<1x1x4096xf32, #tpu.memory_space<hbm>> -> memref<4096xf32, #tpu.memory_space<hbm>>
      %dma_start3A_462 = arith.constant 0 : i32
      %dma_start3A_463 = tpu.memref_slice %arg8[%dma_start3A_452, %dma_start3A_462] : memref<2x4096xf32, #tpu.memory_space<vmem>> -> memref<1x4096xf32, #tpu.memory_space<vmem>>
      %dma_start3A_464 = tpu.memref_squeeze %dma_start3A_463 : memref<1x4096xf32, #tpu.memory_space<vmem>> -> memref<4096xf32, #tpu.memory_space<vmem>>
      tpu.enqueue_dma source(%dma_start3A_464 : memref<4096xf32, #tpu.memory_space<vmem>>) target(%dma_start3A_461 : memref<4096xf32, #tpu.memory_space<hbm>>) target_semaphore(%arg11 : memref<!tpu.dma_semaphore, #tpu.memory_space<semaphore_mem>>)
      %gt3A_465 = arith.constant 0 : i32
      %gt3A_466 = arith.cmpi sgt, %scan3A_81, %gt3A_465 : i32
      %convert_element_type3A_467 = arith.extui %gt3A_466 : i1 to i32
      %cond3A_468 = arith.constant 0 : i32
      %cond3A_469 = arith.cmpi ne, %convert_element_type3A_467, %cond3A_468 : i32
      scf.if %cond3A_469 {
        %dma_wait3A_544 = arith.constant 1 : i32
        %dma_wait3A_545 = arith.constant 0 : i32
        %dma_wait3A_546 = tpu.memref_slice %arg8[%dma_wait3A_544, %dma_wait3A_545] : memref<2x4096xf32, #tpu.memory_space<vmem>> -> memref<1x4096xf32, #tpu.memory_space<vmem>>
        %dma_wait3A_547 = tpu.memref_squeeze %dma_wait3A_546 : memref<1x4096xf32, #tpu.memory_space<vmem>> -> memref<4096xf32, #tpu.memory_space<vmem>>
        %dma_wait3A_548 = arith.constant 4096 : i32
        %dma_wait3A_549 = tpu.memref_slice %arg5[%select_n3A_106, %rem3A_108, %dma_wait3A_548] : memref<26x32x16384xf32, #tpu.memory_space<hbm>> -> memref<1x1x4096xf32, #tpu.memory_space<hbm>>
        %dma_wait3A_550 = tpu.memref_squeeze %dma_wait3A_549 : memref<1x1x4096xf32, #tpu.memory_space<hbm>> -> memref<4096xf32, #tpu.memory_space<hbm>>
        %dma_wait3A_551 = arith.constant 4096 : i32
        %dma_wait3A_552 = tpu.memref_slice %arg5[%select_n3A_106, %rem3A_108, %dma_wait3A_551] : memref<26x32x16384xf32, #tpu.memory_space<hbm>> -> memref<1x1x4096xf32, #tpu.memory_space<hbm>>
        %dma_wait3A_553 = tpu.memref_squeeze %dma_wait3A_552 : memref<1x1x4096xf32, #tpu.memory_space<hbm>> -> memref<4096xf32, #tpu.memory_space<hbm>>
        %dma_wait3A_554 = arith.constant 0 : i32
        %dma_wait3A_555 = tpu.memref_slice %arg8[%dma_wait3A_544, %dma_wait3A_554] : memref<2x4096xf32, #tpu.memory_space<vmem>> -> memref<1x4096xf32, #tpu.memory_space<vmem>>
        %dma_wait3A_556 = tpu.memref_squeeze %dma_wait3A_555 : memref<1x4096xf32, #tpu.memory_space<vmem>> -> memref<4096xf32, #tpu.memory_space<vmem>>
        tpu.wait_dma2 semaphore(%arg12 : memref<!tpu.dma_semaphore, #tpu.memory_space<semaphore_mem>>) src(%dma_wait3A_556 : memref<4096xf32, #tpu.memory_space<vmem>>) dst(%dma_wait3A_553 : memref<4096xf32, #tpu.memory_space<hbm>>)
      } else {
      }
      %parallel_loop3A_470 = arith.constant 0 : i32
      %parallel_loop3A_471 = arith.constant 256 : i32
      %parallel_loop3A_472 = arith.constant 1 : i32
      scf.for %parallel_loop3A_544 = %parallel_loop3A_470 to %parallel_loop3A_471 step %parallel_loop3A_472  : i32 {
        %parallel_loop3A_545 = arith.constant 16 : i32
        %parallel_loop3A_546 = arith.muli %parallel_loop3A_544, %parallel_loop3A_545 : i32
        %parallel_loop3A_547 = arith.constant 4096 : i32
        %parallel_loop3A_548 = arith.addi %parallel_loop3A_547, %parallel_loop3A_546 : i32
        %parallel_loop3A_549 = arith.index_cast %parallel_loop3A_548 : i32 to index
        %parallel_loop3A_550 = tpu.vector_load %arg6[%parallel_loop3A_549] {strides = array<i32>} : memref<16384xi32, #tpu.memory_space<vmem>>, vector<16xi32>,
        %parallel_loop3A_551 = tpu.vector_load_idx %arg7[%parallel_loop3A_550] : memref<100000xf32, #tpu.memory_space<vmem>>[vector<16xi32>], vector<16xf32>,
        %parallel_loop3A_552 = arith.constant 16 : i32
        %parallel_loop3A_553 = arith.muli %parallel_loop3A_544, %parallel_loop3A_552 : i32
        %parallel_loop3A_554 = arith.constant 1 : i32
        %parallel_loop3A_555 = arith.index_cast %parallel_loop3A_554 : i32 to index
        %parallel_loop3A_556 = arith.index_cast %parallel_loop3A_553 : i32 to index
        %parallel_loop3A_557 = tpu.vector_load %arg8[%parallel_loop3A_555, %parallel_loop3A_556] {strides = array<i32>} : memref<2x4096xf32, #tpu.memory_space<vmem>>, vector<16xf32>,
        tpu.vector_store %arg8[%parallel_loop3A_555, %parallel_loop3A_556], %parallel_loop3A_551 {strides = array<i32>} : memref<2x4096xf32, #tpu.memory_space<vmem>>, vector<16xf32>,
      } {sc.loop_unroll_factor = 16 : i64, sc.parallel_access}
      %dma_start3A_473 = arith.constant 1 : i32
      %dma_start3A_474 = arith.constant 0 : i32
      %dma_start3A_475 = tpu.memref_slice %arg8[%dma_start3A_473, %dma_start3A_474] : memref<2x4096xf32, #tpu.memory_space<vmem>> -> memref<1x4096xf32, #tpu.memory_space<vmem>>
      %dma_start3A_476 = tpu.memref_squeeze %dma_start3A_475 : memref<1x4096xf32, #tpu.memory_space<vmem>> -> memref<4096xf32, #tpu.memory_space<vmem>>
      %dma_start3A_477 = arith.constant 4096 : i32
      %dma_start3A_478 = tpu.memref_slice %arg5[%select_n3A_106, %rem3A_108, %dma_start3A_477] : memref<26x32x16384xf32, #tpu.memory_space<hbm>> -> memref<1x1x4096xf32, #tpu.memory_space<hbm>>
      %dma_start3A_479 = tpu.memref_squeeze %dma_start3A_478 : memref<1x1x4096xf32, #tpu.memory_space<hbm>> -> memref<4096xf32, #tpu.memory_space<hbm>>
      %dma_start3A_480 = arith.constant 4096 : i32
      %dma_start3A_481 = tpu.memref_slice %arg5[%select_n3A_106, %rem3A_108, %dma_start3A_480] : memref<26x32x16384xf32, #tpu.memory_space<hbm>> -> memref<1x1x4096xf32, #tpu.memory_space<hbm>>
      %dma_start3A_482 = tpu.memref_squeeze %dma_start3A_481 : memref<1x1x4096xf32, #tpu.memory_space<hbm>> -> memref<4096xf32, #tpu.memory_space<hbm>>
      %dma_start3A_483 = arith.constant 0 : i32
      %dma_start3A_484 = tpu.memref_slice %arg8[%dma_start3A_473, %dma_start3A_483] : memref<2x4096xf32, #tpu.memory_space<vmem>> -> memref<1x4096xf32, #tpu.memory_space<vmem>>
      %dma_start3A_485 = tpu.memref_squeeze %dma_start3A_484 : memref<1x4096xf32, #tpu.memory_space<vmem>> -> memref<4096xf32, #tpu.memory_space<vmem>>
      tpu.enqueue_dma source(%dma_start3A_485 : memref<4096xf32, #tpu.memory_space<vmem>>) target(%dma_start3A_482 : memref<4096xf32, #tpu.memory_space<hbm>>) target_semaphore(%arg12 : memref<!tpu.dma_semaphore, #tpu.memory_space<semaphore_mem>>)
      %dma_wait3A_486 = arith.constant 0 : i32
      %dma_wait3A_487 = arith.constant 0 : i32
      %dma_wait3A_488 = tpu.memref_slice %arg8[%dma_wait3A_486, %dma_wait3A_487] : memref<2x4096xf32, #tpu.memory_space<vmem>> -> memref<1x4096xf32, #tpu.memory_space<vmem>>
      %dma_wait3A_489 = tpu.memref_squeeze %dma_wait3A_488 : memref<1x4096xf32, #tpu.memory_space<vmem>> -> memref<4096xf32, #tpu.memory_space<vmem>>
      %dma_wait3A_490 = arith.constant 8192 : i32
      %dma_wait3A_491 = tpu.memref_slice %arg5[%select_n3A_106, %rem3A_108, %dma_wait3A_490] : memref<26x32x16384xf32, #tpu.memory_space<hbm>> -> memref<1x1x4096xf32, #tpu.memory_space<hbm>>
      %dma_wait3A_492 = tpu.memref_squeeze %dma_wait3A_491 : memref<1x1x4096xf32, #tpu.memory_space<hbm>> -> memref<4096xf32, #tpu.memory_space<hbm>>
      %dma_wait3A_493 = arith.constant 8192 : i32
      %dma_wait3A_494 = tpu.memref_slice %arg5[%select_n3A_106, %rem3A_108, %dma_wait3A_493] : memref<26x32x16384xf32, #tpu.memory_space<hbm>> -> memref<1x1x4096xf32, #tpu.memory_space<hbm>>
      %dma_wait3A_495 = tpu.memref_squeeze %dma_wait3A_494 : memref<1x1x4096xf32, #tpu.memory_space<hbm>> -> memref<4096xf32, #tpu.memory_space<hbm>>
      %dma_wait3A_496 = arith.constant 0 : i32
      %dma_wait3A_497 = tpu.memref_slice %arg8[%dma_wait3A_486, %dma_wait3A_496] : memref<2x4096xf32, #tpu.memory_space<vmem>> -> memref<1x4096xf32, #tpu.memory_space<vmem>>
      %dma_wait3A_498 = tpu.memref_squeeze %dma_wait3A_497 : memref<1x4096xf32, #tpu.memory_space<vmem>> -> memref<4096xf32, #tpu.memory_space<vmem>>
      tpu.wait_dma2 semaphore(%arg11 : memref<!tpu.dma_semaphore, #tpu.memory_space<semaphore_mem>>) src(%dma_wait3A_498 : memref<4096xf32, #tpu.memory_space<vmem>>) dst(%dma_wait3A_495 : memref<4096xf32, #tpu.memory_space<hbm>>)
      %parallel_loop3A_499 = arith.constant 0 : i32
      %parallel_loop3A_500 = arith.constant 256 : i32
      %parallel_loop3A_501 = arith.constant 1 : i32
      scf.for %parallel_loop3A_544 = %parallel_loop3A_499 to %parallel_loop3A_500 step %parallel_loop3A_501  : i32 {
        %parallel_loop3A_545 = arith.constant 16 : i32
        %parallel_loop3A_546 = arith.muli %parallel_loop3A_544, %parallel_loop3A_545 : i32
        %parallel_loop3A_547 = arith.constant 8192 : i32
        %parallel_loop3A_548 = arith.addi %parallel_loop3A_547, %parallel_loop3A_546 : i32
        %parallel_loop3A_549 = arith.index_cast %parallel_loop3A_548 : i32 to index
        %parallel_loop3A_550 = tpu.vector_load %arg6[%parallel_loop3A_549] {strides = array<i32>} : memref<16384xi32, #tpu.memory_space<vmem>>, vector<16xi32>,
        %parallel_loop3A_551 = tpu.vector_load_idx %arg7[%parallel_loop3A_550] : memref<100000xf32, #tpu.memory_space<vmem>>[vector<16xi32>], vector<16xf32>,
        %parallel_loop3A_552 = arith.constant 16 : i32
        %parallel_loop3A_553 = arith.muli %parallel_loop3A_544, %parallel_loop3A_552 : i32
        %parallel_loop3A_554 = arith.constant 0 : i32
        %parallel_loop3A_555 = arith.index_cast %parallel_loop3A_554 : i32 to index
        %parallel_loop3A_556 = arith.index_cast %parallel_loop3A_553 : i32 to index
        %parallel_loop3A_557 = tpu.vector_load %arg8[%parallel_loop3A_555, %parallel_loop3A_556] {strides = array<i32>} : memref<2x4096xf32, #tpu.memory_space<vmem>>, vector<16xf32>,
        tpu.vector_store %arg8[%parallel_loop3A_555, %parallel_loop3A_556], %parallel_loop3A_551 {strides = array<i32>} : memref<2x4096xf32, #tpu.memory_space<vmem>>, vector<16xf32>,
      } {sc.loop_unroll_factor = 16 : i64, sc.parallel_access}
      %dma_start3A_502 = arith.constant 0 : i32
      %dma_start3A_503 = arith.constant 0 : i32
      %dma_start3A_504 = tpu.memref_slice %arg8[%dma_start3A_502, %dma_start3A_503] : memref<2x4096xf32, #tpu.memory_space<vmem>> -> memref<1x4096xf32, #tpu.memory_space<vmem>>
      %dma_start3A_505 = tpu.memref_squeeze %dma_start3A_504 : memref<1x4096xf32, #tpu.memory_space<vmem>> -> memref<4096xf32, #tpu.memory_space<vmem>>
      %dma_start3A_506 = arith.constant 8192 : i32
      %dma_start3A_507 = tpu.memref_slice %arg5[%select_n3A_106, %rem3A_108, %dma_start3A_506] : memref<26x32x16384xf32, #tpu.memory_space<hbm>> -> memref<1x1x4096xf32, #tpu.memory_space<hbm>>
      %dma_start3A_508 = tpu.memref_squeeze %dma_start3A_507 : memref<1x1x4096xf32, #tpu.memory_space<hbm>> -> memref<4096xf32, #tpu.memory_space<hbm>>
      %dma_start3A_509 = arith.constant 8192 : i32
      %dma_start3A_510 = tpu.memref_slice %arg5[%select_n3A_106, %rem3A_108, %dma_start3A_509] : memref<26x32x16384xf32, #tpu.memory_space<hbm>> -> memref<1x1x4096xf32, #tpu.memory_space<hbm>>
      %dma_start3A_511 = tpu.memref_squeeze %dma_start3A_510 : memref<1x1x4096xf32, #tpu.memory_space<hbm>> -> memref<4096xf32, #tpu.memory_space<hbm>>
      %dma_start3A_512 = arith.constant 0 : i32
      %dma_start3A_513 = tpu.memref_slice %arg8[%dma_start3A_502, %dma_start3A_512] : memref<2x4096xf32, #tpu.memory_space<vmem>> -> memref<1x4096xf32, #tpu.memory_space<vmem>>
      %dma_start3A_514 = tpu.memref_squeeze %dma_start3A_513 : memref<1x4096xf32, #tpu.memory_space<vmem>> -> memref<4096xf32, #tpu.memory_space<vmem>>
      tpu.enqueue_dma source(%dma_start3A_514 : memref<4096xf32, #tpu.memory_space<vmem>>) target(%dma_start3A_511 : memref<4096xf32, #tpu.memory_space<hbm>>) target_semaphore(%arg11 : memref<!tpu.dma_semaphore, #tpu.memory_space<semaphore_mem>>)
      %dma_wait3A_515 = arith.constant 1 : i32
      %dma_wait3A_516 = arith.constant 0 : i32
      %dma_wait3A_517 = tpu.memref_slice %arg8[%dma_wait3A_515, %dma_wait3A_516] : memref<2x4096xf32, #tpu.memory_space<vmem>> -> memref<1x4096xf32, #tpu.memory_space<vmem>>
      %dma_wait3A_518 = tpu.memref_squeeze %dma_wait3A_517 : memref<1x4096xf32, #tpu.memory_space<vmem>> -> memref<4096xf32, #tpu.memory_space<vmem>>
      %dma_wait3A_519 = arith.constant 12288 : i32
      %dma_wait3A_520 = tpu.memref_slice %arg5[%select_n3A_106, %rem3A_108, %dma_wait3A_519] : memref<26x32x16384xf32, #tpu.memory_space<hbm>> -> memref<1x1x4096xf32, #tpu.memory_space<hbm>>
      %dma_wait3A_521 = tpu.memref_squeeze %dma_wait3A_520 : memref<1x1x4096xf32, #tpu.memory_space<hbm>> -> memref<4096xf32, #tpu.memory_space<hbm>>
      %dma_wait3A_522 = arith.constant 12288 : i32
      %dma_wait3A_523 = tpu.memref_slice %arg5[%select_n3A_106, %rem3A_108, %dma_wait3A_522] : memref<26x32x16384xf32, #tpu.memory_space<hbm>> -> memref<1x1x4096xf32, #tpu.memory_space<hbm>>
      %dma_wait3A_524 = tpu.memref_squeeze %dma_wait3A_523 : memref<1x1x4096xf32, #tpu.memory_space<hbm>> -> memref<4096xf32, #tpu.memory_space<hbm>>
      %dma_wait3A_525 = arith.constant 0 : i32
      %dma_wait3A_526 = tpu.memref_slice %arg8[%dma_wait3A_515, %dma_wait3A_525] : memref<2x4096xf32, #tpu.memory_space<vmem>> -> memref<1x4096xf32, #tpu.memory_space<vmem>>
      %dma_wait3A_527 = tpu.memref_squeeze %dma_wait3A_526 : memref<1x4096xf32, #tpu.memory_space<vmem>> -> memref<4096xf32, #tpu.memory_space<vmem>>
      tpu.wait_dma2 semaphore(%arg12 : memref<!tpu.dma_semaphore, #tpu.memory_space<semaphore_mem>>) src(%dma_wait3A_527 : memref<4096xf32, #tpu.memory_space<vmem>>) dst(%dma_wait3A_524 : memref<4096xf32, #tpu.memory_space<hbm>>)
      %parallel_loop3A_528 = arith.constant 0 : i32
      %parallel_loop3A_529 = arith.constant 256 : i32
      %parallel_loop3A_530 = arith.constant 1 : i32
      scf.for %parallel_loop3A_544 = %parallel_loop3A_528 to %parallel_loop3A_529 step %parallel_loop3A_530  : i32 {
        %parallel_loop3A_545 = arith.constant 16 : i32
        %parallel_loop3A_546 = arith.muli %parallel_loop3A_544, %parallel_loop3A_545 : i32
        %parallel_loop3A_547 = arith.constant 12288 : i32
        %parallel_loop3A_548 = arith.addi %parallel_loop3A_547, %parallel_loop3A_546 : i32
        %parallel_loop3A_549 = arith.index_cast %parallel_loop3A_548 : i32 to index
        %parallel_loop3A_550 = tpu.vector_load %arg6[%parallel_loop3A_549] {strides = array<i32>} : memref<16384xi32, #tpu.memory_space<vmem>>, vector<16xi32>,
        %parallel_loop3A_551 = tpu.vector_load_idx %arg7[%parallel_loop3A_550] : memref<100000xf32, #tpu.memory_space<vmem>>[vector<16xi32>], vector<16xf32>,
        %parallel_loop3A_552 = arith.constant 16 : i32
        %parallel_loop3A_553 = arith.muli %parallel_loop3A_544, %parallel_loop3A_552 : i32
        %parallel_loop3A_554 = arith.constant 1 : i32
        %parallel_loop3A_555 = arith.index_cast %parallel_loop3A_554 : i32 to index
        %parallel_loop3A_556 = arith.index_cast %parallel_loop3A_553 : i32 to index
        %parallel_loop3A_557 = tpu.vector_load %arg8[%parallel_loop3A_555, %parallel_loop3A_556] {strides = array<i32>} : memref<2x4096xf32, #tpu.memory_space<vmem>>, vector<16xf32>,
        tpu.vector_store %arg8[%parallel_loop3A_555, %parallel_loop3A_556], %parallel_loop3A_551 {strides = array<i32>} : memref<2x4096xf32, #tpu.memory_space<vmem>>, vector<16xf32>,
      } {sc.loop_unroll_factor = 16 : i64, sc.parallel_access}
      %dma_start3A_531 = arith.constant 1 : i32
      %dma_start3A_532 = arith.constant 0 : i32
      %dma_start3A_533 = tpu.memref_slice %arg8[%dma_start3A_531, %dma_start3A_532] : memref<2x4096xf32, #tpu.memory_space<vmem>> -> memref<1x4096xf32, #tpu.memory_space<vmem>>
      %dma_start3A_534 = tpu.memref_squeeze %dma_start3A_533 : memref<1x4096xf32, #tpu.memory_space<vmem>> -> memref<4096xf32, #tpu.memory_space<vmem>>
      %dma_start3A_535 = arith.constant 12288 : i32
      %dma_start3A_536 = tpu.memref_slice %arg5[%select_n3A_106, %rem3A_108, %dma_start3A_535] : memref<26x32x16384xf32, #tpu.memory_space<hbm>> -> memref<1x1x4096xf32, #tpu.memory_space<hbm>>
      %dma_start3A_537 = tpu.memref_squeeze %dma_start3A_536 : memref<1x1x4096xf32, #tpu.memory_space<hbm>> -> memref<4096xf32, #tpu.memory_space<hbm>>
      %dma_start3A_538 = arith.constant 12288 : i32
      %dma_start3A_539 = tpu.memref_slice %arg5[%select_n3A_106, %rem3A_108, %dma_start3A_538] : memref<26x32x16384xf32, #tpu.memory_space<hbm>> -> memref<1x1x4096xf32, #tpu.memory_space<hbm>>
      %dma_start3A_540 = tpu.memref_squeeze %dma_start3A_539 : memref<1x1x4096xf32, #tpu.memory_space<hbm>> -> memref<4096xf32, #tpu.memory_space<hbm>>
      %dma_start3A_541 = arith.constant 0 : i32
      %dma_start3A_542 = tpu.memref_slice %arg8[%dma_start3A_531, %dma_start3A_541] : memref<2x4096xf32, #tpu.memory_space<vmem>> -> memref<1x4096xf32, #tpu.memory_space<vmem>>
      %dma_start3A_543 = tpu.memref_squeeze %dma_start3A_542 : memref<1x4096xf32, #tpu.memory_space<vmem>> -> memref<4096xf32, #tpu.memory_space<vmem>>
      tpu.enqueue_dma source(%dma_start3A_543 : memref<4096xf32, #tpu.memory_space<vmem>>) target(%dma_start3A_540 : memref<4096xf32, #tpu.memory_space<hbm>>) target_semaphore(%arg12 : memref<!tpu.dma_semaphore, #tpu.memory_space<semaphore_mem>>)
    }
    %scan3A_7 = arith.constant 26 : i32
    %add3A_8 = arith.constant 26 : i32
    %add3A_9 = arith.addi %mul3A_2, %add3A_8 : i32
    %sub3A = arith.constant 1 : i32
    %sub3A_10 = arith.subi %add3A_9, %sub3A : i32
    %jit3A = arith.constant 32 : i32
    %div3A = arith.divsi %sub3A_10, %jit3A : i32
    %sign3A = arith.constant 0 : i32
    %sign3A_11 = arith.cmpi sgt, %sub3A_10, %sign3A : i32
    %sign3A_12 = arith.extui %sign3A_11 : i1 to i32
    %sign3A_13 = arith.constant 0 : i32
    %sign3A_14 = arith.cmpi slt, %sub3A_10, %sign3A_13 : i32
    %sign3A_15 = arith.extui %sign3A_14 : i1 to i32
    %sign3A_16 = arith.subi %sign3A_12, %sign3A_15 : i32
    %sign3A_17 = arith.constant 0 : i32
    %sign3A_18 = arith.cmpi sgt, %jit3A, %sign3A_17 : i32
    %sign3A_19 = arith.extui %sign3A_18 : i1 to i32
    %sign3A_20 = arith.constant 0 : i32
    %sign3A_21 = arith.cmpi slt, %jit3A, %sign3A_20 : i32
    %sign3A_22 = arith.extui %sign3A_21 : i1 to i32
    %sign3A_23 = arith.subi %sign3A_19, %sign3A_22 : i32
    %ne3A = arith.cmpi ne, %sign3A_16, %sign3A_23 : i32
    %rem3A = arith.remsi %sub3A_10, %jit3A : i32
    %ne3A_24 = arith.constant 0 : i32
    %ne3A_25 = arith.cmpi ne, %rem3A, %ne3A_24 : i32
    %and3A = arith.andi %ne3A, %ne3A_25 : i1
    %sub3A_26 = arith.constant 1 : i32
    %sub3A_27 = arith.subi %div3A, %sub3A_26 : i32
    %select_n3A = arith.select %and3A, %sub3A_27, %div3A : i32
    %rem3A_28 = arith.constant 32 : i32
    %rem3A_29 = arith.remsi %sub3A_10, %rem3A_28 : i32
    %dma_wait3A = arith.constant 0 : i32
    %dma_wait3A_30 = arith.constant 0 : i32
    %dma_wait3A_31 = tpu.memref_slice %arg8[%dma_wait3A, %dma_wait3A_30] : memref<2x4096xf32, #tpu.memory_space<vmem>> -> memref<1x4096xf32, #tpu.memory_space<vmem>>
    %dma_wait3A_32 = tpu.memref_squeeze %dma_wait3A_31 : memref<1x4096xf32, #tpu.memory_space<vmem>> -> memref<4096xf32, #tpu.memory_space<vmem>>
    %dma_wait3A_33 = arith.constant 8192 : i32
    %dma_wait3A_34 = tpu.memref_slice %arg5[%select_n3A, %rem3A_29, %dma_wait3A_33] : memref<26x32x16384xf32, #tpu.memory_space<hbm>> -> memref<1x1x4096xf32, #tpu.memory_space<hbm>>
    %dma_wait3A_35 = tpu.memref_squeeze %dma_wait3A_34 : memref<1x1x4096xf32, #tpu.memory_space<hbm>> -> memref<4096xf32, #tpu.memory_space<hbm>>
    %dma_wait3A_36 = arith.constant 8192 : i32
    %dma_wait3A_37 = tpu.memref_slice %arg5[%select_n3A, %rem3A_29, %dma_wait3A_36] : memref<26x32x16384xf32, #tpu.memory_space<hbm>> -> memref<1x1x4096xf32, #tpu.memory_space<hbm>>
    %dma_wait3A_38 = tpu.memref_squeeze %dma_wait3A_37 : memref<1x1x4096xf32, #tpu.memory_space<hbm>> -> memref<4096xf32, #tpu.memory_space<hbm>>
    %dma_wait3A_39 = arith.constant 0 : i32
    %dma_wait3A_40 = tpu.memref_slice %arg8[%dma_wait3A, %dma_wait3A_39] : memref<2x4096xf32, #tpu.memory_space<vmem>> -> memref<1x4096xf32, #tpu.memory_space<vmem>>
    %dma_wait3A_41 = tpu.memref_squeeze %dma_wait3A_40 : memref<1x4096xf32, #tpu.memory_space<vmem>> -> memref<4096xf32, #tpu.memory_space<vmem>>
    tpu.wait_dma2 semaphore(%arg11 : memref<!tpu.dma_semaphore, #tpu.memory_space<semaphore_mem>>) src(%dma_wait3A_41 : memref<4096xf32, #tpu.memory_space<vmem>>) dst(%dma_wait3A_38 : memref<4096xf32, #tpu.memory_space<hbm>>)
    %jit3A_42 = arith.constant 32 : i32
    %div3A_43 = arith.divsi %sub3A_10, %jit3A_42 : i32
    %sign3A_44 = arith.constant 0 : i32
    %sign3A_45 = arith.cmpi sgt, %sub3A_10, %sign3A_44 : i32
    %sign3A_46 = arith.extui %sign3A_45 : i1 to i32
    %sign3A_47 = arith.constant 0 : i32
    %sign3A_48 = arith.cmpi slt, %sub3A_10, %sign3A_47 : i32
    %sign3A_49 = arith.extui %sign3A_48 : i1 to i32
    %sign3A_50 = arith.subi %sign3A_46, %sign3A_49 : i32
    %sign3A_51 = arith.constant 0 : i32
    %sign3A_52 = arith.cmpi sgt, %jit3A_42, %sign3A_51 : i32
    %sign3A_53 = arith.extui %sign3A_52 : i1 to i32
    %sign3A_54 = arith.constant 0 : i32
    %sign3A_55 = arith.cmpi slt, %jit3A_42, %sign3A_54 : i32
    %sign3A_56 = arith.extui %sign3A_55 : i1 to i32
    %sign3A_57 = arith.subi %sign3A_53, %sign3A_56 : i32
    %ne3A_58 = arith.cmpi ne, %sign3A_50, %sign3A_57 : i32
    %rem3A_59 = arith.remsi %sub3A_10, %jit3A_42 : i32
    %ne3A_60 = arith.constant 0 : i32
    %ne3A_61 = arith.cmpi ne, %rem3A_59, %ne3A_60 : i32
    %and3A_62 = arith.andi %ne3A_58, %ne3A_61 : i1
    %sub3A_63 = arith.constant 1 : i32
    %sub3A_64 = arith.subi %div3A_43, %sub3A_63 : i32
    %select_n3A_65 = arith.select %and3A_62, %sub3A_64, %div3A_43 : i32
    %rem3A_66 = arith.constant 32 : i32
    %rem3A_67 = arith.remsi %sub3A_10, %rem3A_66 : i32
    %dma_wait3A_68 = arith.constant 1 : i32
    %dma_wait3A_69 = arith.constant 0 : i32
    %dma_wait3A_70 = tpu.memref_slice %arg8[%dma_wait3A_68, %dma_wait3A_69] : memref<2x4096xf32, #tpu.memory_space<vmem>> -> memref<1x4096xf32, #tpu.memory_space<vmem>>
    %dma_wait3A_71 = tpu.memref_squeeze %dma_wait3A_70 : memref<1x4096xf32, #tpu.memory_space<vmem>> -> memref<4096xf32, #tpu.memory_space<vmem>>
    %dma_wait3A_72 = arith.constant 12288 : i32
    %dma_wait3A_73 = tpu.memref_slice %arg5[%select_n3A_65, %rem3A_67, %dma_wait3A_72] : memref<26x32x16384xf32, #tpu.memory_space<hbm>> -> memref<1x1x4096xf32, #tpu.memory_space<hbm>>
    %dma_wait3A_74 = tpu.memref_squeeze %dma_wait3A_73 : memref<1x1x4096xf32, #tpu.memory_space<hbm>> -> memref<4096xf32, #tpu.memory_space<hbm>>
    %dma_wait3A_75 = arith.constant 12288 : i32
    %dma_wait3A_76 = tpu.memref_slice %arg5[%select_n3A_65, %rem3A_67, %dma_wait3A_75] : memref<26x32x16384xf32, #tpu.memory_space<hbm>> -> memref<1x1x4096xf32, #tpu.memory_space<hbm>>
    %dma_wait3A_77 = tpu.memref_squeeze %dma_wait3A_76 : memref<1x1x4096xf32, #tpu.memory_space<hbm>> -> memref<4096xf32, #tpu.memory_space<hbm>>
    %dma_wait3A_78 = arith.constant 0 : i32
    %dma_wait3A_79 = tpu.memref_slice %arg8[%dma_wait3A_68, %dma_wait3A_78] : memref<2x4096xf32, #tpu.memory_space<vmem>> -> memref<1x4096xf32, #tpu.memory_space<vmem>>
    %dma_wait3A_80 = tpu.memref_squeeze %dma_wait3A_79 : memref<1x4096xf32, #tpu.memory_space<vmem>> -> memref<4096xf32, #tpu.memory_space<vmem>>
    tpu.wait_dma2 semaphore(%arg12 : memref<!tpu.dma_semaphore, #tpu.memory_space<semaphore_mem>>) src(%dma_wait3A_80 : memref<4096xf32, #tpu.memory_space<vmem>>) dst(%dma_wait3A_77 : memref<4096xf32, #tpu.memory_space<hbm>>)
    return
  }
}

</mosaic_0001>

<sc_bundles>
// kernel: kernel.3.cloned.1.call-start
scs
__scs_entry_jumppad:
0x0: {  	(pc) =	sbr.rel $0x88, $3  }
0x1: {  	(tag) =	ssettag $0x0;
	lr =	simm.s32 $0x1  }
0x2: {  	[smem:$0x3F9F] =	sst lr;
	_ =	strace $0xD0000000  }
0x3: {  	_ = 	snop  }
0x4: {  	_ = 	snop  }
0x5: {  	_ = 	snop  }
0x6: {  	_ = 	snop  }
0x7: {  	_ = 	snop  }
__scs_overlays_trampoline_lowered:
0x8: {  	[smem:$0x3FAE] =	sst s0  }
0x9: {  	[smem:$0x3FAF] =	sst s1  }
0xa: {  	[smem:$0x3FB0] =	sst s2  }
0xb: {  	[smem:$0x3FB1] =	sst s3  }
0xc: {  	[smem:$0x3FB2] =	sst s4  }
0xd: {  	[smem:$0x3FB3] =	sst s5  }
0xe: {  	[smem:$0x3FB4] =	sst s6  }
0xf: {  	[smem:$0x3FB5] =	sst s7  }
0x10: {  	[smem:$0x3FB6] =	sst s8  }
0x11: {  	[smem:$0x3FB7] =	sst s9;
	s0 =	simm.s32 @!p0 $0x0  }
0x12: {  	s1 =	sld [smem:$0x3F9D];
	s0 =	simm.s32 @p0 $0x1  }
0x13: {  	[smem:$0x3FB8] =	sst s0;
	s0 =	simm.s32 @!p1 $0x0  }
0x14: {  	s2 =	sld [smem:$0x3F9C];
	s0 =	simm.s32 @p1 $0x1  }
0x15: {  	[smem:$0x3FB9] =	sst s0;
	s0 =	simm.s32 @!p2 $0x0  }
0x16: {  	s3 =	sld [smem:$0x3FDB];
	s0 =	simm.s32 @p2 $0x1  }
0x17: {  	s4 =	simm.s32 $0x1BF5;
	[smem:$0x3FBB] =	sst s0  }
0x18: {  	s0 =	sld [smem:$0x3F9E];
	_ =	swait.ge [sflag:s4], $0x0  }
0x19: {  	s7 =	sld [smem:$0x3F9F]  }
0x1a: {  	s8 =	sadd.s32 $0xFFFFE003, lr  }
0x1b: {  	s9 =	sadd.s32 $0xFFFFFEF7, lr;
	s5 =	simm.s32 $0xFFFFFFFF;
	p2 =	slt.u32 s8, $0xFFFFF086  }
0x1c: {  	p1 =	slt.u32 s9, $0xF7A;
	s5 =	simm.s32 @!p2 $0x0  }
0x1d: {  	s5 =	simm.s32 @p1 $0x1;
	p0 =	seq.s32 s7, s2  }
0x1e: {  	s7 =	smul.u32 @!p0 $0xF7A, s2;
	p2 =	seq.s32 @!p0 s5, $0x0  }
0x1f: {  	s9 =	smul.u32 $0xF7A, s1;
	s8 =	simm.s32 @!p0 $0x1BF5;
	p2 =	por !p2, p0  }
0x20: {  	[sflag:s8] =	ssyncset.s32 @!p0 $0xFFFFF086;
	s6 =	sadd.s32 @!p0 s3, s7;
	s7 =	simm.s32 @!p0 $0x108  }
0x21: {  	s3 =	sadd.s32 s3, s9;
	s6 =	sadd.s32 @!p0 $0x88, s6;
	s7 =	simm.s32 @p2 $0x1082  }
0x22: {  	[simem:s7], [sflag:s8] =	dma.local @!p0 [hbm:s6], $0xF7A  }
0x23: {  	s9 =	sor.u32 $0xD0000000, s2;
	s6 =	simm.s32 $0x108;
	_ =	swait.ge @!p0 [sflag:s8], $0x0  }
0x24: {  	s3 =	sadd.s32 $0x88, s3;
	s6 =	simm.s32 @!p1 $0x1082;
	[sflag:s4] =	ssyncset.s32 $0xFFFFF086  }
0x25: {  	[simem:s6], [sflag:s4] =	dma.local [hbm:s3], $0xF7A  }
0x26: {  	[smem:$0x3F9F] =	sst s1;
	(tag) =	ssettag s2;
	_ =	strace s9  }
0x27: {  	s1 =	sld [smem:$0x3FAF]  }
0x28: {  	s2 =	sld [smem:$0x3FB0]  }
0x29: {  	s4 =	sld [smem:$0x3FB2]  }
0x2a: {  	p0 =	seq.s32 s5, $0x0;
	s5 =	sld [smem:$0x3FB3]  }
0x2b: {  	s6 =	sld [smem:$0x3FB4]  }
0x2c: {  	s7 =	sld [smem:$0x3FB5]  }
0x2d: {  	s3 =	simm.s32 $0x108;
	s8 =	sld [smem:$0x3FB6]  }
0x2e: {  	s3 =	simm.s32 @!p0 $0x1082;
	s9 =	sld [smem:$0x3FB7]  }
0x2f: {  	lr =	sadd.s32 s0, s3;
	s0 =	sld [smem:$0x3FAE]  }
0x30: {  	s3 =	sld [smem:$0x3FB1]  }
0x31: {  	[smem:$0x3FBA] =	sst s10  }
0x32: {  	s10 =	sld [smem:$0x3FB8];
	_ =	sdelay $0x3  }
0x33: {  	p0 =	seq.s32 s10, $0x1;
	s10 =	sld [smem:$0x3FBA];
	_ =	sdelay $0x3  }
0x34: {  	[smem:$0x3FBA] =	sst s10  }
0x35: {  	s10 =	sld [smem:$0x3FB9];
	_ =	sdelay $0x3  }
0x36: {  	p1 =	seq.s32 s10, $0x1;
	s10 =	sld [smem:$0x3FBA];
	_ =	sdelay $0x3  }
0x37: {  	[smem:$0x3FBA] =	sst s10  }
0x38: {  	s10 =	sld [smem:$0x3FBB]  }
0x39: {  	_ = 	snop;
	(pc) =	sbr.ind lr, $3  }
0x3a: {  	_ = 	snop  }
0x3b: {  	_ = 	snop  }
0x3c: {  	p2 =	seq.s32 s10, $0x1;
	s10 =	sld [smem:$0x3FBA]  }
0x3d: {  	_ =	shalt  }
0x3e: {  	_ =	shalt  }
0x3f: {  	_ =	shalt  }
0x40: {  	_ =	shalt  }
0x41: {  	_ =	shalt  }
0x42: {  	_ =	shalt  }
0x43: {  	_ =	shalt  }
0x44: {  	_ =	shalt  }
0x45: {  	_ =	shalt  }
0x46: {  	_ =	shalt  }
0x47: {  	_ =	shalt  }
0x48: {  	_ =	shalt  }
0x49: {  	_ =	shalt  }
0x4a: {  	_ =	shalt  }
0x4b: {  	_ =	shalt  }
0x4c: {  	_ =	shalt  }
0x4d: {  	_ =	shalt  }
0x4e: {  	_ =	shalt  }
0x4f: {  	_ =	shalt  }
0x50: {  	_ =	shalt  }
0x51: {  	_ =	shalt  }
0x52: {  	_ =	shalt  }
0x53: {  	_ =	shalt  }
0x54: {  	_ =	shalt  }
0x55: {  	_ =	shalt  }
0x56: {  	_ =	shalt  }
0x57: {  	_ =	shalt  }
0x58: {  	_ =	shalt  }
0x59: {  	_ =	shalt  }
0x5a: {  	_ =	shalt  }
0x5b: {  	_ =	shalt  }
0x5c: {  	_ =	shalt  }
0x5d: {  	_ =	shalt  }
0x5e: {  	_ =	shalt  }
0x5f: {  	_ =	shalt  }
0x60: {  	_ =	shalt  }
0x61: {  	_ =	shalt  }
0x62: {  	_ =	shalt  }
0x63: {  	_ =	shalt  }
0x64: {  	_ =	shalt  }
0x65: {  	_ =	shalt  }
0x66: {  	_ =	shalt  }
0x67: {  	_ =	shalt  }
0x68: {  	_ =	shalt  }
0x69: {  	_ =	shalt  }
0x6a: {  	_ =	shalt  }
0x6b: {  	_ =	shalt  }
0x6c: {  	_ =	shalt  }
0x6d: {  	_ =	shalt  }
0x6e: {  	_ =	shalt  }
0x6f: {  	_ =	shalt  }
0x70: {  	_ =	shalt  }
0x71: {  	_ =	shalt  }
0x72: {  	_ =	shalt  }
0x73: {  	_ =	shalt  }
0x74: {  	_ =	shalt  }
0x75: {  	_ =	shalt  }
0x76: {  	_ =	shalt  }
0x77: {  	_ =	shalt  }
0x78: {  	_ =	shalt  }
0x79: {  	_ =	shalt  }
0x7a: {  	_ =	shalt  }
0x7b: {  	_ =	shalt  }
0x7c: {  	_ =	shalt  }
0x7d: {  	_ =	shalt  }
0x7e: {  	_ =	shalt  }
0x7f: {  	_ =	shalt  }
0x80: {  	_ =	shalt  }
0x81: {  	_ =	shalt  }
0x82: {  	_ =	shalt  }
0x83: {  	_ =	shalt  }
0x84: {  	_ =	shalt  }
0x85: {  	_ =	shalt  }
0x86: {  	_ =	shalt  }
0x87: {  	_ =	shalt  }
.Lfunc_end0:
.L_simem_size_0:
called_computation_lowered:
.L_overlay_start_0:
0x88: {  	s2 =	sld [smem:$0x3FD9]  }
0x89: {  	s3 =	sld [smem:$0x3FFE];
	_ =	sdelay $0x1  }
0x8a: {  	s1 =	srdreg.scid  }
0x8b: {  	s0 =	sand.u32 $0x1, s1  }
0x8c: {  	s17 =	sshll.u32 s0, $0xA;
	s2 =	sadd.s32 s3, s2  }
0x8d: {  	s2 =	sadd.s32 s2, s17  }
0x8e: {  	[smem:$0x3FC6] =	sst s2  }
0x8f: {  	_ = 	snop  }
0x90: {  	s2 =	sld [smem:$0x3FC9]  }
0x91: {  	s18 =	sld [smem:$0x3FC8]  }
0x92: {  	s4 =	sld [smem:$0x3FD0];
	(tm) =	ssettm $0x1  }
0x93: {  	s5 =	sld [smem:$0x3FFB];
	_ =	sdelay $0x3  }
0x94: {  	_ =	strace s5  }
0x95: {  	s5 =	sld [smem:$0x3FFC];
	_ =	sdelay $0x3  }
0x96: {  	_ =	strace s5  }
0x97: {  	s5 =	sld [smem:$0x3FFD];
	_ =	sdelay $0x3  }
0x98: {  	_ =	strace s5  }
0x99: {  	_ =	strace $0x8FFFFFFF  }
0x9a: {  	s19 =	sld [smem:$0x3FDB];
	_ =	sdelay $0x1  }
0x9b: {  	s6 =	simm.s32 $_scs_section_size  }
0x9c: {  	s7 =	simm.s32 $_size__tile_overlayer_lowered;
	s8 =	simm.s32 $_tile_overlayer_lowered  }
0x9d: {  	s22 =	simm.s32 $0x1BFF;
	s21 =	sshll.u32 s8, $0x1;
	s5 =	sadd.s32 s6, s19  }
0x9e: {  	s9 =	simm.s32 $0x0;
	s20 =	sshll.u32 s7, $0x1;
	s7 =	sadd.s32 s21, s5  }
0x9f: {  	[timem:s9], [sflag:s22] =	dma.local [hbm:s7], s20  }
0xa0: {  	_ =	swait.ge [sflag:s22], s20  }
0xa1: {  	s6 =	ssub.s32 $0x0, s20;
	[sflag:s22] =	ssyncset.done $0x0  }
0xa2: {  	[sflag:s22] =	ssyncadd.s32 s6;
	_ =	sdelay $0x1  }
0xa3: {  	s23 =	simm.s32 $0x1B8B  }
0xa4: {  	_ =	swait.ge [sflag:s23], $0x1  }
0xa5: {  	[sflag:s23] =	ssyncset.done $0x0  }
0xa6: {  	s25 =	simm.s32 $0x1B8E;
	s24 =	sld [smem:$0x3FFE];
	[sflag:s23] =	ssyncadd.s32 $0xFFFFFFFF  }
0xa7: {  	s26 =	simm.s32 $execute0_lowered;
	[smem:$0x3FD2] =	sst s25  }
0xa8: {  	s7 =	sshll.u32 s26, $0x1;
	_ =	strace $0x80000046;
	[dreg:$0x1] =	wrdreg $0xFFFFFFFF  }
0xa9: {  	s28 =	simm.s32 $_size_execute0_lowered;
	s5 =	sadd.s32 s5, s7;
	[dreg:$0x0] =	wrdreg $0x0  }
0xaa: {  	s7 =	sshll.u32 s28, $0x1;
	[dreg:$0x2] =	wrdreg s5  }
0xab: {  	[dreg:$0x3] =	wrdreg s7  }
0xac: {  	[dreg:$0x4] =	wrdreg $0xC0  }
0xad: {  	_ =	task [dreg:s9], $0x5FFFF  }
0xae: {  	[dreg:$0x1] =	wrdreg $0xFFFFFFFF  }
0xaf: {  	[dreg:$0x0] =	wrdreg $0x60  }
0xb0: {  	[dreg:$0x2] =	wrdreg s2  }
0xb1: {  	[dreg:$0x3] =	wrdreg s18  }
0xb2: {  	[dreg:$0x4] =	wrdreg s24  }
0xb3: {  	[dreg:$0x5] =	wrdreg s4  }
0xb4: {  	[dreg:$0x6] =	wrdreg $0x9  }
0xb5: {  	_ =	task.clear_ibuf [dreg:s9], $0x7FFFF;
	_ =	strace $0x90000046  }
0xb6: {  	s29 =	simm.s32 $0x9;
	_ =	strace $0x80000048  }
0xb7: {  	_ =	swait.ge [sflag:s29], $0x1  }
0xb8: {  	[sflag:s29] =	ssyncadd.s32 $0xFFFFFFFF  }
0xb9: {  	_ =	strace $0x90000048  }
0xba: {  	_ =	sfence  }
0xbb: {  	s30 =	sld [smem:$0x0];
	_ =	sdelay $0x2  }
0xbc: {  	s31 =	sshll.u32 s1, $0xD;
	s1 =	sshrl.u32 s1, $0x2  }
0xbd: {  	s3 =	sand.u32 $0x4000, s31;
	s1 =	sadd.s32 s1, s30  }
0xbe: {  	s0 =	sor.u32 s3, s0;
	s1 =	sshll.u32 s1, $0x11  }
0xbf: {  	s0 =	sor.u32 s1, s0  }
0xc0: {  	s0 =	sadd.s32 $0x8F2B, s0  }
0xc1: {  	[sflag:s0] =	ssyncadd.remote.s32 $0x1  }
0xc2: {  	_ =	sfence.sel $0xFFFF  }
0xc3: {  	[dreg:$0x0] =	wrdreg $0xFFFFFFFF;
	(pc) =	sbr.abs _section_cstart, $3  }
0xc4: {  	[dreg:$0x1] =	wrdreg $0xFFFFFFFF  }
0xc5: {  	_ =	task.clear_ibuf [dreg:s9], $0x2FFFF;
	_ =	strace $0x9FFFFFFF  }
0xc6: {  	(tm) =	ssettm $0x7FFFFFFF  }
0xc7: {  	_ =	shalt  }
tec
execute0_lowered:
.L_overlay_start_1:
0x0: {  	(tag) =	ssettag $0x1  }
0x1: {  	s2 =	rddreg [dreg:$0x1]  }
0x2: {  	s0 =	rddreg [dreg:$0x2]  }
0x3: {  	s6 =	rddreg [dreg:$0x3];
	s5 =	simm.s32 $0x0;
	s1 =	srdreg.scid  }
0x4: {  	s4 =	stileid.u32;
	s12 =	simm.s32 $0x80;
	s13 =	simm.s32 $0x400  }
0x5: {  	s14 =	simm.s32 $0x4000;
	s22 =	simm.s32 $0x10400;
	s23 =	simm.s32 $0x11C80  }
0x6: {  	s24 =	simm.s32 $0x13500;
	s25 =	simm.s32 $0x14D80;
	s28 =	simm.s32 $0x17E80  }
0x7: {  	s29 =	simm.s32 $0x19700;
	s30 =	simm.s32 $0x1AF80;
	s31 =	simm.s32 $0x4  }
0x8: {  	s11 =	simm.s32 $0x2;
	[smem:$0x7FF] =	sst s5;
	s1 =	sand.u32 $0x1, s1  }
0x9: {  	s4 =	sshll.u32 s4, $0x1;
	s0 =	sadd.s32 $0x400, s0;
	s8 =	sadd.s32 $0x1000, s6  }
0xa: {  	s9 =	sadd.s32 $0x2000, s6;
	s10 =	sadd.s32 $0x3000, s6;
	s3 =	ssub.s32 $0x2, s1  }
0xb: {  	_ =	strace $0x80000047;
	[dreg:$0x5] =	wrdreg s0;
	s26 =	sshrl.u32 s3, $0x1  }
0xc: {  	s1 =	sor.u32 s1, s4;
	s4 =	simm.s32 $0x1;
	s0 =	ssub.s32 s3, s26  }
0xd: {  	s7 =	smul.u32 $0x1A, s1;
	s1 =	simm.s32 $0x3;
	s0 =	smax.u32 s0, $0x1  }
0xe: {  	s26 =	simm.s32 $0x16600;
	s3 =	simm.s32 $0x0;
	[dreg:$0x6] =	wrdreg s0  }
.LBB2_1:
0xf: {  	[dreg:$0x7] =	wrdreg s3;
	s0 =	simm.s32 $0x0  }
.LBB2_2:
0x10: {  	s17 =	sadd.s32 s7, s0  }
0x11: {  	s6 =	sshrl.u32 s17, $0x5;
	s18 =	sand.u32 $0x1F, s17  }
0x12: {  	s3 =	sshrl.u32 s18, $0x3;
	s15 =	smul.u32 $0x30E000, s6  }
0x13: {  	s19 =	smul.u32 $0xC3800, s3  }
0x14: {  	s16 =	sshll.u32 s18, $0x7  }
0x15: {  	s19 =	sadd.s32 s15, s19;
	s15 =	sand.u32 $0x380, s16  }
0x16: {  	s19 =	sor.u32 s15, s19  }
0x17: {  	s20 =	sshrl.u32 s19, $0x3  }
0x18: {  	s21 =	sadd.s32 $0xC400, s19;
	s20 =	sadd.s32 s2, s20  }
0x19: {  	[tilespmem:s14], [sflag:$0x1] =	stream.strided.gather [hbm4b:s20+s12], $0x1880, s13, s12, $0x38;
	[tilespmem:$0x1EB00] =	vst v63  }
0x1a: {  	s20 =	sshrl.u32 s21, $0x3  }
0x1b: {  	s21 =	simm.s32 $0x5880;
	s20 =	sadd.s32 s2, s20  }
0x1c: {  	[tilespmem:s21], [sflag:$0x1] =	stream.strided.gather [hbm4b:s20+s12], $0x1880, s13, s12, $0x38;
	[tilespmem:$0x1EB00] =	vst v63  }
0x1d: {  	s21 =	sadd.s32 $0x18800, s19  }
0x1e: {  	s20 =	sshrl.u32 s21, $0x3  }
0x1f: {  	s21 =	simm.s32 $0x7100;
	s20 =	sadd.s32 s2, s20  }
0x20: {  	[tilespmem:s21], [sflag:$0x1] =	stream.strided.gather [hbm4b:s20+s12], $0x1880, s13, s12, $0x38;
	[tilespmem:$0x1EB00] =	vst v63  }
0x21: {  	s21 =	sadd.s32 $0x24C00, s19  }
0x22: {  	s20 =	sshrl.u32 s21, $0x3  }
0x23: {  	s21 =	simm.s32 $0x8980;
	s20 =	sadd.s32 s2, s20  }
0x24: {  	[tilespmem:s21], [sflag:$0x1] =	stream.strided.gather [hbm4b:s20+s12], $0x1880, s13, s12, $0x38;
	[tilespmem:$0x1EB00] =	vst v63  }
0x25: {  	s21 =	sadd.s32 $0x31000, s19  }
0x26: {  	s20 =	sshrl.u32 s21, $0x3  }
0x27: {  	s21 =	simm.s32 $0xA200;
	s20 =	sadd.s32 s2, s20  }
0x28: {  	[tilespmem:s21], [sflag:$0x1] =	stream.strided.gather [hbm4b:s20+s12], $0x1880, s13, s12, $0x38;
	[tilespmem:$0x1EB00] =	vst v63  }
0x29: {  	s21 =	sadd.s32 $0x3D400, s19  }
0x2a: {  	s20 =	sshrl.u32 s21, $0x3  }
0x2b: {  	s21 =	simm.s32 $0xBA80;
	s20 =	sadd.s32 s2, s20  }
0x2c: {  	[tilespmem:s21], [sflag:$0x1] =	stream.strided.gather [hbm4b:s20+s12], $0x1880, s13, s12, $0x38;
	[tilespmem:$0x1EB00] =	vst v63  }
0x2d: {  	s21 =	sadd.s32 $0x49800, s19  }
0x2e: {  	s20 =	sshrl.u32 s21, $0x3  }
0x2f: {  	s21 =	simm.s32 $0xD300;
	s20 =	sadd.s32 s2, s20  }
0x30: {  	[tilespmem:s21], [sflag:$0x1] =	stream.strided.gather [hbm4b:s20+s12], $0x1880, s13, s12, $0x38;
	[tilespmem:$0x1EB00] =	vst v63  }
0x31: {  	s21 =	sadd.s32 $0x55C00, s19  }
0x32: {  	s20 =	sshrl.u32 s21, $0x3  }
0x33: {  	s21 =	simm.s32 $0xEB80;
	s20 =	sadd.s32 s2, s20  }
0x34: {  	[tilespmem:s21], [sflag:$0x1] =	stream.strided.gather [hbm4b:s20+s12], $0x1880, s13, s12, $0x38;
	[tilespmem:$0x1EB00] =	vst v63  }
0x35: {  	s21 =	sadd.s32 $0x62000, s19  }
0x36: {  	s20 =	sshrl.u32 s21, $0x3  }
0x37: {  	s21 =	sadd.s32 $0x6E400, s19;
	s20 =	sadd.s32 s2, s20  }
0x38: {  	[tilespmem:s22], [sflag:$0x1] =	stream.strided.gather [hbm4b:s20+s12], $0x1880, s13, s12, $0x38;
	[tilespmem:$0x1EB00] =	vst v63  }
0x39: {  	s20 =	sshrl.u32 s21, $0x3  }
0x3a: {  	s21 =	sadd.s32 $0x7A800, s19;
	s20 =	sadd.s32 s2, s20  }
0x3b: {  	[tilespmem:s23], [sflag:$0x1] =	stream.strided.gather [hbm4b:s20+s12], $0x1880, s13, s12, $0x38;
	[tilespmem:$0x1EB00] =	vst v63  }
0x3c: {  	s20 =	sshrl.u32 s21, $0x3  }
0x3d: {  	s21 =	sadd.s32 $0x86C00, s19;
	s20 =	sadd.s32 s2, s20  }
0x3e: {  	[tilespmem:s24], [sflag:$0x1] =	stream.strided.gather [hbm4b:s20+s12], $0x1880, s13, s12, $0x38;
	[tilespmem:$0x1EB00] =	vst v63  }
0x3f: {  	s20 =	sshrl.u32 s21, $0x3  }
0x40: {  	s21 =	sadd.s32 $0x93000, s19;
	s20 =	sadd.s32 s2, s20  }
0x41: {  	[tilespmem:s25], [sflag:$0x1] =	stream.strided.gather [hbm4b:s20+s12], $0x1880, s13, s12, $0x38;
	[tilespmem:$0x1EB00] =	vst v63  }
0x42: {  	s20 =	sshrl.u32 s21, $0x3  }
0x43: {  	s21 =	sadd.s32 $0x9F400, s19;
	s20 =	sadd.s32 s2, s20  }
0x44: {  	[tilespmem:s26], [sflag:$0x1] =	stream.strided.gather [hbm4b:s20+s12], $0x1880, s13, s12, $0x38;
	[tilespmem:$0x1EB00] =	vst v63  }
0x45: {  	s20 =	sshrl.u32 s21, $0x3  }
0x46: {  	p0 =	seq.s32 s0, $0x0;
	s21 =	sadd.s32 $0xAB800, s19;
	s20 =	sadd.s32 s2, s20  }
0x47: {  	[tilespmem:s28], [sflag:$0x1] =	stream.strided.gather [hbm4b:s20+s12], $0x1880, s13, s12, $0x38;
	[tilespmem:$0x1EB00] =	vst v63  }
0x48: {  	p1 =	sne.s32 @!p0 s18, $0x0;
	s19 =	sadd.s32 $0xB7C00, s19;
	s20 =	sshrl.u32 s21, $0x3  }
0x49: {  	p1 =	por p0, !p1;
	s19 =	sshrl.u32 s19, $0x3;
	s20 =	sadd.s32 s2, s20  }
0x4a: {  	[tilespmem:s29], [sflag:$0x1] =	stream.strided.gather [hbm4b:s20+s12], $0x1880, s13, s12, $0x38;
	[tilespmem:$0x1EB00] =	vst v63  }
0x4b: {  	s17 =	sshrl.u32 @p1 s17, $0x8;
	s18 =	sshll.u32 @p1 s6, $0x7;
	s19 =	sadd.s32 s2, s19  }
0x4c: {  	[tilespmem:s30], [sflag:$0x1] =	stream.strided.gather [hbm4b:s19+s12], $0x1700, s13, s12, $0x38;
	[tilespmem:$0x1EB00] =	vst v63  }
0x4d: {  	s18 =	sand.u32 @p1 $0x380, s18;
	s19 =	sshll.u32 @p1 s17, $0x11  }
0x4e: {  	s19 =	sor.u32 @p1 s19, s18  }
0x4f: {  	s20 =	rddreg @p1 [dreg:$0x0];
	s19 =	sshrl.u32 @p1 s19, $0x3  }
0x50: {  	s17 =	sshll.u32 @p1 s17, $0xD;
	s19 =	sadd.s32 @p1 s20, s19  }
0x51: {  	[tilespmem:s5], [sflag:$0x4] =	stream.strided.gather @p1 [hbm4b:s19+s12], $0x4000, s13, s12, $0x38;
	[tilespmem:$0x1EB00] =	vst v63  }
0x52: {  	s17 =	sor.u32 @p1 s17, s18;
	_ =	swait.ge @p1 [sflag:s31], $0x4000  }
0x53: {  	s17 =	sshrl.u32 @p1 s17, $0x3;
	[sflag:s31] =	ssyncset.done @p1 $0x0;
	s18 =	rddreg @p1 [dreg:$0x5]  }
0x54: {  	[sflag:s31] =	ssyncadd.s32 @p1 $0xFFFFC000;
	s17 =	sadd.s32 @p1 s18, s17;
	s18 =	simm.s32 @p1 $0x1E700  }
0x55: {  	[tilespmem:s18], [sflag:$0x4] =	stream.strided.gather @p1 [hbm4b:s17+s12], $0x400, s13, s12, $0x38;
	[tilespmem:$0x1EB00] =	vst v63  }
0x56: {  	_ =	swait.ge @p1 [sflag:s31], $0x400  }
0x57: {  	[sflag:s31] =	ssyncset.done @p1 $0x0  }
0x58: {  	s16 =	sshrl.u32 s16, $0x2;
	[sflag:s31] =	ssyncadd.s32 @p1 $0xFFFFFC00  }
0x59: {  	v0 =	vld [tilespmem:s16+$0x1E700];
	_ =	sdelay $0x4  }
0x5a: {  	[tilespmem:$0x1C680] =	vst v0  }
0x5b: {  	v0 =	vld [tilespmem:s16+$0x1E710];
	_ =	sdelay $0x4  }
0x5c: {  	[tilespmem:$0x1C690] =	vst v0  }
0x5d: {  	_ =	swait.ge [sflag:s4], $0x1880  }
0x5e: {  	[sflag:s4] =	ssyncset.done $0x0  }
0x5f: {  	[sflag:s4] =	ssyncadd.s32 $0xFFFFE780  }
0x60: {  	_ =	swait.ge [sflag:s4], $0x1880  }
0x61: {  	[sflag:s4] =	ssyncset.done $0x0  }
0x62: {  	[sflag:s4] =	ssyncadd.s32 $0xFFFFE780  }
0x63: {  	_ =	swait.ge [sflag:s4], $0x1880  }
0x64: {  	[sflag:s4] =	ssyncset.done $0x0  }
0x65: {  	[sflag:s4] =	ssyncadd.s32 $0xFFFFE780  }
0x66: {  	_ =	swait.ge [sflag:s4], $0x1880  }
0x67: {  	[sflag:s4] =	ssyncset.done $0x0  }
0x68: {  	[sflag:s4] =	ssyncadd.s32 $0xFFFFE780  }
0x69: {  	_ =	swait.ge [sflag:s4], $0x1880  }
0x6a: {  	[sflag:s4] =	ssyncset.done $0x0  }
0x6b: {  	[sflag:s4] =	ssyncadd.s32 $0xFFFFE780  }
0x6c: {  	_ =	swait.ge [sflag:s4], $0x1880  }
0x6d: {  	[sflag:s4] =	ssyncset.done $0x0  }
0x6e: {  	[sflag:s4] =	ssyncadd.s32 $0xFFFFE780  }
0x6f: {  	_ =	swait.ge [sflag:s4], $0x1880  }
0x70: {  	[sflag:s4] =	ssyncset.done $0x0  }
0x71: {  	[sflag:s4] =	ssyncadd.s32 $0xFFFFE780  }
0x72: {  	_ =	swait.ge [sflag:s4], $0x1880  }
0x73: {  	[sflag:s4] =	ssyncset.done $0x0  }
0x74: {  	[sflag:s4] =	ssyncadd.s32 $0xFFFFE780  }
0x75: {  	_ =	swait.ge [sflag:s4], $0x1880  }
0x76: {  	[sflag:s4] =	ssyncset.done $0x0  }
0x77: {  	[sflag:s4] =	ssyncadd.s32 $0xFFFFE780  }
0x78: {  	_ =	swait.ge [sflag:s4], $0x1880  }
0x79: {  	[sflag:s4] =	ssyncset.done $0x0  }
0x7a: {  	[sflag:s4] =	ssyncadd.s32 $0xFFFFE780  }
0x7b: {  	_ =	swait.ge [sflag:s4], $0x1880  }
0x7c: {  	[sflag:s4] =	ssyncset.done $0x0  }
0x7d: {  	[sflag:s4] =	ssyncadd.s32 $0xFFFFE780  }
0x7e: {  	_ =	swait.ge [sflag:s4], $0x1880  }
0x7f: {  	[sflag:s4] =	ssyncset.done $0x0  }
0x80: {  	[sflag:s4] =	ssyncadd.s32 $0xFFFFE780  }
0x81: {  	_ =	swait.ge [sflag:s4], $0x1880  }
0x82: {  	[sflag:s4] =	ssyncset.done $0x0  }
0x83: {  	[sflag:s4] =	ssyncadd.s32 $0xFFFFE780  }
0x84: {  	_ =	swait.ge [sflag:s4], $0x1880  }
0x85: {  	[sflag:s4] =	ssyncset.done $0x0  }
0x86: {  	[sflag:s4] =	ssyncadd.s32 $0xFFFFE780  }
0x87: {  	_ =	swait.ge [sflag:s4], $0x1880  }
0x88: {  	[sflag:s4] =	ssyncset.done $0x0  }
0x89: {  	[sflag:s4] =	ssyncadd.s32 $0xFFFFE780  }
0x8a: {  	_ =	swait.ge [sflag:s4], $0x1700  }
0x8b: {  	[sflag:s4] =	ssyncset.done $0x0  }
0x8c: {  	s16 =	simm.s32 @!p0 $0x2;
	[sflag:s4] =	ssyncadd.s32 $0xFFFFE900  }
0x8d: {  	_ =	swait.ge @!p0 [sflag:s16], $0x1000  }
0x8e: {  	[sflag:s16] =	ssyncset.done @!p0 $0x0  }
0x8f: {  	s21 =	simm.s32 $0x80;
	[sflag:s16] =	ssyncadd.s32 @!p0 $0xFFFFF000  }
0x90: {  	v0 =	vld [tilespmem:s21+$0x70]  }
0x91: {  	v1 =	vld [tilespmem:s21+$0xFFFFFF90]  }
0x92: {  	v2 =	vld [tilespmem:s21+$0xFFFFFFA0]  }
0x93: {  	v3 =	vld [tilespmem:s21+$0xFFFFFFB0]  }
0x94: {  	v4 =	vld [tilespmem:s21+$0xFFFFFFC0]  }
0x95: {  	v5 =	vld [tilespmem:s21+$0xFFFFFFD0]  }
0x96: {  	v6 =	vld [tilespmem:s21+$0xFFFFFFE0]  }
0x97: {  	v7 =	vld [tilespmem:s21+$0xFFFFFFF0]  }
0x98: {  	v8 =	vld [tilespmem:s21+$0x0]  }
0x99: {  	v9 =	vld [tilespmem:s21+$0x10]  }
0x9a: {  	v10 =	vld [tilespmem:s21+$0x20]  }
0x9b: {  	v11 =	vld [tilespmem:s21+$0x30]  }
0x9c: {  	v12 =	vld [tilespmem:s21+$0x40]  }
0x9d: {  	v13 =	vld [tilespmem:s21+$0x50]  }
0x9e: {  	v14 =	vld [tilespmem:s21+$0x60]  }
0x9f: {  	v15 =	vld [tilespmem:s21+$0xFFFFFF80]  }
0xa0: {  	v0 =	vld.idx.msk [tilespmem:v0+s14+$0x0], $0xffff  }
0xa1: {  	v1 =	vld.idx.msk [tilespmem:v1+s14+$0x0], $0xffff  }
0xa2: {  	v2 =	vld.idx.msk [tilespmem:v2+s14+$0x0], $0xffff  }
0xa3: {  	v3 =	vld.idx.msk [tilespmem:v3+s14+$0x0], $0xffff  }
0xa4: {  	v4 =	vld.idx.msk [tilespmem:v4+s14+$0x0], $0xffff  }
0xa5: {  	s16 =	simm.s32 $0x1C800;
	v16 =	vld.idx.msk [tilespmem:v5+s14+$0x0], $0xffff  }
0xa6: {  	v6 =	vld.idx.msk [tilespmem:v6+s14+$0x0], $0xffff;
	[tilespmem:s16+$0x70] =	vst v0  }
0xa7: {  	v7 =	vld.idx.msk [tilespmem:v7+s14+$0x0], $0xffff;
	[tilespmem:s16+$0xFFFFFF10] =	vst v1  }
0xa8: {  	v15 =	vld.idx.msk [tilespmem:v15+s14+$0x0], $0xffff;
	[tilespmem:s16+$0xFFFFFF20] =	vst v2  }
0xa9: {  	v8 =	vld.idx.msk [tilespmem:v8+s14+$0x0], $0xffff;
	[tilespmem:s16+$0xFFFFFF30] =	vst v3  }
0xaa: {  	v5 =	vld.idx.msk [tilespmem:v9+s14+$0x0], $0xffff;
	[tilespmem:s16+$0xFFFFFF40] =	vst v4  }
0xab: {  	[tilespmem:s16+$0xFFFFFF50] =	vst v16;
	v0 =	vld.idx.msk [tilespmem:v10+s14+$0x0], $0xffff  }
0xac: {  	[tilespmem:s16+$0xFFFFFF60] =	vst v6;
	v1 =	vld.idx.msk [tilespmem:v11+s14+$0x0], $0xffff  }
0xad: {  	[tilespmem:s16+$0xFFFFFF70] =	vst v7;
	v2 =	vld.idx.msk [tilespmem:v12+s14+$0x0], $0xffff  }
0xae: {  	[tilespmem:s16+$0xFFFFFF00] =	vst v15;
	v3 =	vld.idx.msk [tilespmem:v13+s14+$0x0], $0xffff  }
0xaf: {  	s17 =	simm.s32 $0x0;
	s18 =	simm.s32 $0x180;
	[tilespmem:s16+$0x0] =	vst v8;
	v4 =	vld.idx.msk [tilespmem:v14+s14+$0x0], $0xffff  }
.LBB2_3:
0xb0: {  	v6 =	vld [tilespmem:s18+$0x70];
	s17 =	sadd.s32 $0x10, s17;
	[tilespmem:s16+$0x10] =	vst v5  }
0xb1: {  	v5 =	vld [tilespmem:s18+$0xFFFFFF90];
	p1 =	slt.u32 s17, $0xF0;
	[tilespmem:s16+$0x20] =	vst v0  }
0xb2: {  	v0 =	vld [tilespmem:s18+$0xFFFFFFA0];
	[tilespmem:s16+$0x30] =	vst v1  }
0xb3: {  	v1 =	vld [tilespmem:s18+$0xFFFFFFB0];
	[tilespmem:s16+$0x40] =	vst v2  }
0xb4: {  	v2 =	vld [tilespmem:s18+$0xFFFFFFC0];
	[tilespmem:s16+$0x50] =	vst v3  }
0xb5: {  	v3 =	vld [tilespmem:s18+$0xFFFFFFD0];
	[tilespmem:s16+$0x60] =	vst v4  }
0xb6: {  	v4 =	vld [tilespmem:s18+$0xFFFFFFE0]  }
0xb7: {  	v7 =	vld [tilespmem:s18+$0xFFFFFFF0]  }
0xb8: {  	v6 =	vld.idx.msk [tilespmem:v6+s14+$0x0], $0xffff  }
0xb9: {  	v8 =	vld [tilespmem:s18+$0x0]  }
0xba: {  	v9 =	vld [tilespmem:s18+$0x10]  }
0xbb: {  	v10 =	vld [tilespmem:s18+$0x20]  }
0xbc: {  	v11 =	vld [tilespmem:s18+$0x30]  }
0xbd: {  	s16 =	sadd.s32 $0x200, s16;
	v12 =	vld [tilespmem:s18+$0x40]  }
0xbe: {  	v13 =	vld [tilespmem:s18+$0x50];
	[tilespmem:s16+$0x70] =	vst v6  }
0xbf: {  	v6 =	vld [tilespmem:s18+$0x60]  }
0xc0: {  	v14 =	vld [tilespmem:s18+$0xFFFFFF80]  }
0xc1: {  	v5 =	vld.idx.msk [tilespmem:v5+s14+$0x0], $0xffff  }
0xc2: {  	v0 =	vld.idx.msk [tilespmem:v0+s14+$0x0], $0xffff  }
0xc3: {  	v1 =	vld.idx.msk [tilespmem:v1+s14+$0x0], $0xffff  }
0xc4: {  	v2 =	vld.idx.msk [tilespmem:v2+s14+$0x0], $0xffff  }
0xc5: {  	v3 =	vld.idx.msk [tilespmem:v3+s14+$0x0], $0xffff  }
0xc6: {  	v4 =	vld.idx.msk [tilespmem:v4+s14+$0x0], $0xffff  }
0xc7: {  	[tilespmem:s16+$0xFFFFFF10] =	vst v5;
	v7 =	vld.idx.msk [tilespmem:v7+s14+$0x0], $0xffff  }
0xc8: {  	v14 =	vld.idx.msk [tilespmem:v14+s14+$0x0], $0xffff;
	[tilespmem:s16+$0xFFFFFF20] =	vst v0  }
0xc9: {  	[tilespmem:s16+$0xFFFFFF30] =	vst v1;
	v8 =	vld.idx.msk [tilespmem:v8+s14+$0x0], $0xffff  }
0xca: {  	[tilespmem:s16+$0xFFFFFF40] =	vst v2;
	v5 =	vld.idx.msk [tilespmem:v9+s14+$0x0], $0xffff  }
.Ltmp0:
0xcb: {  	[tilespmem:s16+$0xFFFFFF50] =	vst v3;
	v0 =	vld.idx.msk [tilespmem:v10+s14+$0x0], $0xffff;
	(pc) =	sbr.rel @p1 .LBB2_3-.Ltmp0, $4  }
0xcc: {  	[tilespmem:s16+$0xFFFFFF60] =	vst v4;
	v1 =	vld.idx.msk [tilespmem:v11+s14+$0x0], $0xffff  }
0xcd: {  	[tilespmem:s16+$0xFFFFFF70] =	vst v7;
	v2 =	vld.idx.msk [tilespmem:v12+s14+$0x0], $0xffff  }
0xce: {  	[tilespmem:s16+$0xFFFFFF00] =	vst v14;
	v3 =	vld.idx.msk [tilespmem:v13+s14+$0x0], $0xffff  }
0xcf: {  	s18 =	sadd.s32 $0x100, s18;
	[tilespmem:s16+$0x0] =	vst v8;
	v4 =	vld.idx.msk [tilespmem:v6+s14+$0x0], $0xffff  }
0xd0: {  	[tilespmem:s16+$0x10] =	vst v5;
	s6 =	sshll.u32 s6, $0x13;
	s3 =	sshll.u32 s3, $0x11  }
0xd1: {  	[tilespmem:s16+$0x20] =	vst v0;
	s3 =	sor.u32 s6, s3  }
0xd2: {  	[tilespmem:s16+$0x30] =	vst v1;
	s3 =	sor.u32 s15, s3  }
0xd3: {  	s21 =	rddreg [dreg:$0x3];
	[tilespmem:s16+$0x40] =	vst v2;
	s6 =	sshrl.u32 s3, $0x3  }
0xd4: {  	s17 =	simm.s32 $0x1C800;
	[tilespmem:s16+$0x50] =	vst v3;
	s3 =	sadd.s32 s21, s6  }
0xd5: {  	s15 =	simm.s32 $0x1C700;
	[tilespmem:s16+$0x60] =	vst v4;
	s16 =	simm.s32 $0x80;
	s18 =	sadd.s32 $0x0, s3  }
.LBB2_5:
0xd6: {  	[hbm4b:s18+s5] =	stream.linear.scatter [tilespmem:s15], [sflag:$0x2], $0x80, $0x38;
	[tilespmem:$0x1EB00] =	vst v63  }
0xd7: {  	s18 =	smov.u32 s16;
	s15 =	smov.u32 s17;
	p1 =	sne.s32 s16, $0xF80  }
.Ltmp1:
0xd8: {  	s16 =	sadd.s32 $0x80, s16;
	(pc) =	sbr.rel @p1 .LBB2_5-.Ltmp1, $2  }
0xd9: {  	_ =	sdelay $0x2  }
0xda: {  	s17 =	sadd.s32 $0x100, s17;
	s18 =	sadd.s32 s18, s3  }
0xdb: {  	[hbm4b:s18+s5] =	stream.linear.scatter [tilespmem:s15], [sflag:$0x2], $0x80, $0x38;
	[tilespmem:$0x1EB00] =	vst v63  }
0xdc: {  	s3 =	simm.s32 @!p0 $0x3  }
0xdd: {  	_ =	swait.ge @!p0 [sflag:s3], $0x1000  }
0xde: {  	[sflag:s3] =	ssyncset.done @!p0 $0x0  }
0xdf: {  	s21 =	simm.s32 $0x10F0;
	[sflag:s3] =	ssyncadd.s32 @!p0 $0xFFFFF000  }
0xe0: {  	v0 =	vld [tilespmem:s21+$0x0]  }
0xe1: {  	v1 =	vld [tilespmem:s21+$0xFFFFFF20]  }
0xe2: {  	v2 =	vld [tilespmem:s21+$0xFFFFFF30]  }
0xe3: {  	v3 =	vld [tilespmem:s21+$0xFFFFFF40]  }
0xe4: {  	v4 =	vld [tilespmem:s21+$0xFFFFFF50]  }
0xe5: {  	v5 =	vld [tilespmem:s21+$0xFFFFFF60]  }
0xe6: {  	v6 =	vld [tilespmem:s21+$0xFFFFFF70]  }
0xe7: {  	v7 =	vld [tilespmem:s21+$0xFFFFFF80]  }
0xe8: {  	v8 =	vld [tilespmem:s21+$0xFFFFFF90]  }
0xe9: {  	v9 =	vld [tilespmem:s21+$0xFFFFFFA0]  }
0xea: {  	v10 =	vld [tilespmem:s21+$0xFFFFFFB0]  }
0xeb: {  	v11 =	vld [tilespmem:s21+$0xFFFFFFC0]  }
0xec: {  	v12 =	vld [tilespmem:s21+$0xFFFFFFD0]  }
0xed: {  	v13 =	vld [tilespmem:s21+$0xFFFFFFE0]  }
0xee: {  	v14 =	vld [tilespmem:s21+$0xFFFFFFF0]  }
0xef: {  	v15 =	vld [tilespmem:s21+$0xFFFFFF10]  }
0xf0: {  	v0 =	vld.idx.msk [tilespmem:v0+s14+$0x0], $0xffff  }
0xf1: {  	v1 =	vld.idx.msk [tilespmem:v1+s14+$0x0], $0xffff  }
0xf2: {  	v2 =	vld.idx.msk [tilespmem:v2+s14+$0x0], $0xffff  }
0xf3: {  	v3 =	vld.idx.msk [tilespmem:v3+s14+$0x0], $0xffff  }
0xf4: {  	v4 =	vld.idx.msk [tilespmem:v4+s14+$0x0], $0xffff  }
0xf5: {  	s3 =	simm.s32 $0x1C880;
	v5 =	vld.idx.msk [tilespmem:v5+s14+$0x0], $0xffff  }
0xf6: {  	v6 =	vld.idx.msk [tilespmem:v6+s14+$0x0], $0xffff;
	[tilespmem:s3+$0x70] =	vst v0  }
0xf7: {  	v7 =	vld.idx.msk [tilespmem:v7+s14+$0x0], $0xffff;
	[tilespmem:s3+$0xFFFFFF10] =	vst v1  }
0xf8: {  	v15 =	vld.idx.msk [tilespmem:v15+s14+$0x0], $0xffff;
	[tilespmem:s3+$0xFFFFFF20] =	vst v2  }
0xf9: {  	v8 =	vld.idx.msk [tilespmem:v8+s14+$0x0], $0xffff;
	[tilespmem:s3+$0xFFFFFF30] =	vst v3  }
0xfa: {  	[tilespmem:s3+$0xFFFFFF40] =	vst v4;
	v0 =	vld.idx.msk [tilespmem:v9+s14+$0x0], $0xffff  }
0xfb: {  	[tilespmem:s3+$0xFFFFFF50] =	vst v5;
	v1 =	vld.idx.msk [tilespmem:v10+s14+$0x0], $0xffff  }
0xfc: {  	[tilespmem:s3+$0xFFFFFF60] =	vst v6;
	v2 =	vld.idx.msk [tilespmem:v11+s14+$0x0], $0xffff  }
0xfd: {  	[tilespmem:s3+$0xFFFFFF70] =	vst v7;
	v3 =	vld.idx.msk [tilespmem:v12+s14+$0x0], $0xffff  }
0xfe: {  	[tilespmem:s3+$0xFFFFFF00] =	vst v15;
	v4 =	vld.idx.msk [tilespmem:v13+s14+$0x0], $0xffff  }
0xff: {  	s15 =	simm.s32 $0x0;
	s16 =	simm.s32 $0x11F0;
	[tilespmem:s3+$0x0] =	vst v8;
	v5 =	vld.idx.msk [tilespmem:v14+s14+$0x0], $0xffff  }
.LBB2_7:
0x100: {  	v6 =	vld [tilespmem:s16+$0x0];
	s15 =	sadd.s32 $0x10, s15;
	[tilespmem:s3+$0x10] =	vst v0  }
0x101: {  	v0 =	vld [tilespmem:s16+$0xFFFFFF20];
	p0 =	slt.u32 s15, $0xF0;
	[tilespmem:s3+$0x20] =	vst v1  }
0x102: {  	v1 =	vld [tilespmem:s16+$0xFFFFFF30];
	[tilespmem:s3+$0x30] =	vst v2  }
0x103: {  	v2 =	vld [tilespmem:s16+$0xFFFFFF40];
	[tilespmem:s3+$0x40] =	vst v3  }
0x104: {  	v3 =	vld [tilespmem:s16+$0xFFFFFF50];
	[tilespmem:s3+$0x50] =	vst v4  }
0x105: {  	v4 =	vld [tilespmem:s16+$0xFFFFFF60];
	[tilespmem:s3+$0x60] =	vst v5  }
0x106: {  	v5 =	vld [tilespmem:s16+$0xFFFFFF70]  }
0x107: {  	v7 =	vld [tilespmem:s16+$0xFFFFFF80]  }
0x108: {  	v6 =	vld.idx.msk [tilespmem:v6+s14+$0x0], $0xffff  }
0x109: {  	v8 =	vld [tilespmem:s16+$0xFFFFFF90]  }
0x10a: {  	v9 =	vld [tilespmem:s16+$0xFFFFFFA0]  }
0x10b: {  	v10 =	vld [tilespmem:s16+$0xFFFFFFB0]  }
0x10c: {  	v11 =	vld [tilespmem:s16+$0xFFFFFFC0]  }
0x10d: {  	s3 =	sadd.s32 $0x200, s3;
	v12 =	vld [tilespmem:s16+$0xFFFFFFD0]  }
0x10e: {  	v13 =	vld [tilespmem:s16+$0xFFFFFFE0];
	[tilespmem:s3+$0x70] =	vst v6  }
0x10f: {  	v6 =	vld [tilespmem:s16+$0xFFFFFFF0]  }
0x110: {  	v14 =	vld [tilespmem:s16+$0xFFFFFF10]  }
0x111: {  	v0 =	vld.idx.msk [tilespmem:v0+s14+$0x0], $0xffff  }
0x112: {  	v1 =	vld.idx.msk [tilespmem:v1+s14+$0x0], $0xffff  }
0x113: {  	v2 =	vld.idx.msk [tilespmem:v2+s14+$0x0], $0xffff  }
0x114: {  	v3 =	vld.idx.msk [tilespmem:v3+s14+$0x0], $0xffff  }
0x115: {  	v4 =	vld.idx.msk [tilespmem:v4+s14+$0x0], $0xffff  }
0x116: {  	v5 =	vld.idx.msk [tilespmem:v5+s14+$0x0], $0xffff  }
0x117: {  	[tilespmem:s3+$0xFFFFFF10] =	vst v0;
	v7 =	vld.idx.msk [tilespmem:v7+s14+$0x0], $0xffff  }
0x118: {  	v14 =	vld.idx.msk [tilespmem:v14+s14+$0x0], $0xffff;
	[tilespmem:s3+$0xFFFFFF20] =	vst v1  }
0x119: {  	[tilespmem:s3+$0xFFFFFF30] =	vst v2;
	v8 =	vld.idx.msk [tilespmem:v8+s14+$0x0], $0xffff  }
0x11a: {  	[tilespmem:s3+$0xFFFFFF40] =	vst v3;
	v0 =	vld.idx.msk [tilespmem:v9+s14+$0x0], $0xffff  }
.Ltmp2:
0x11b: {  	[tilespmem:s3+$0xFFFFFF50] =	vst v4;
	v1 =	vld.idx.msk [tilespmem:v10+s14+$0x0], $0xffff;
	(pc) =	sbr.rel @p0 .LBB2_7-.Ltmp2, $4  }
0x11c: {  	[tilespmem:s3+$0xFFFFFF60] =	vst v5;
	v2 =	vld.idx.msk [tilespmem:v11+s14+$0x0], $0xffff  }
0x11d: {  	[tilespmem:s3+$0xFFFFFF70] =	vst v7;
	v3 =	vld.idx.msk [tilespmem:v12+s14+$0x0], $0xffff  }
0x11e: {  	[tilespmem:s3+$0xFFFFFF00] =	vst v14;
	v4 =	vld.idx.msk [tilespmem:v13+s14+$0x0], $0xffff  }
0x11f: {  	s16 =	sadd.s32 $0x100, s16;
	[tilespmem:s3+$0x0] =	vst v8;
	v5 =	vld.idx.msk [tilespmem:v6+s14+$0x0], $0xffff  }
0x120: {  	[tilespmem:s3+$0x10] =	vst v0  }
0x121: {  	[tilespmem:s3+$0x20] =	vst v1  }
0x122: {  	[tilespmem:s3+$0x30] =	vst v2  }
0x123: {  	[tilespmem:s3+$0x40] =	vst v3  }
0x124: {  	s15 =	sadd.s32 s6, s8;
	s16 =	simm.s32 $0x1C780;
	[tilespmem:s3+$0x50] =	vst v4  }
0x125: {  	s17 =	simm.s32 $0x1C880;
	s18 =	sadd.s32 $0x0, s15;
	[tilespmem:s3+$0x60] =	vst v5;
	s3 =	simm.s32 $0x80  }
.LBB2_9:
0x126: {  	[hbm4b:s18+s5] =	stream.linear.scatter [tilespmem:s16], [sflag:$0x3], $0x80, $0x38;
	[tilespmem:$0x1EB00] =	vst v63  }
0x127: {  	s18 =	smov.u32 s3;
	s16 =	smov.u32 s17;
	p0 =	sne.s32 s3, $0xF80  }
.Ltmp3:
0x128: {  	s3 =	sadd.s32 $0x80, s3;
	(pc) =	sbr.rel @p0 .LBB2_9-.Ltmp3, $2  }
0x129: {  	_ =	sdelay $0x2  }
0x12a: {  	s17 =	sadd.s32 $0x100, s17;
	s18 =	sadd.s32 s18, s15  }
0x12b: {  	[hbm4b:s18+s5] =	stream.linear.scatter [tilespmem:s16], [sflag:$0x3], $0x80, $0x38;
	[tilespmem:$0x1EB00] =	vst v63  }
0x12c: {  	_ =	swait.ge [sflag:s11], $0x1000  }
0x12d: {  	[sflag:s11] =	ssyncset.done $0x0  }
0x12e: {  	s21 =	simm.s32 $0x20F0;
	[sflag:s11] =	ssyncadd.s32 $0xFFFFF000  }
0x12f: {  	v0 =	vld [tilespmem:s21+$0x0]  }
0x130: {  	v1 =	vld [tilespmem:s21+$0xFFFFFF20]  }
0x131: {  	v2 =	vld [tilespmem:s21+$0xFFFFFF30]  }
0x132: {  	v3 =	vld [tilespmem:s21+$0xFFFFFF40]  }
0x133: {  	v4 =	vld [tilespmem:s21+$0xFFFFFF50]  }
0x134: {  	v5 =	vld [tilespmem:s21+$0xFFFFFF60]  }
0x135: {  	v6 =	vld [tilespmem:s21+$0xFFFFFF70]  }
0x136: {  	v7 =	vld [tilespmem:s21+$0xFFFFFF80]  }
0x137: {  	v8 =	vld [tilespmem:s21+$0xFFFFFF90]  }
0x138: {  	v9 =	vld [tilespmem:s21+$0xFFFFFFA0]  }
0x139: {  	v10 =	vld [tilespmem:s21+$0xFFFFFFB0]  }
0x13a: {  	v11 =	vld [tilespmem:s21+$0xFFFFFFC0]  }
0x13b: {  	v12 =	vld [tilespmem:s21+$0xFFFFFFD0]  }
0x13c: {  	v13 =	vld [tilespmem:s21+$0xFFFFFFE0]  }
0x13d: {  	v14 =	vld [tilespmem:s21+$0xFFFFFFF0]  }
0x13e: {  	v15 =	vld [tilespmem:s21+$0xFFFFFF10]  }
0x13f: {  	v0 =	vld.idx.msk [tilespmem:v0+s14+$0x0], $0xffff  }
0x140: {  	v1 =	vld.idx.msk [tilespmem:v1+s14+$0x0], $0xffff  }
0x141: {  	v2 =	vld.idx.msk [tilespmem:v2+s14+$0x0], $0xffff  }
0x142: {  	v3 =	vld.idx.msk [tilespmem:v3+s14+$0x0], $0xffff  }
0x143: {  	v4 =	vld.idx.msk [tilespmem:v4+s14+$0x0], $0xffff  }
0x144: {  	s15 =	simm.s32 $0x1C800;
	v5 =	vld.idx.msk [tilespmem:v5+s14+$0x0], $0xffff  }
0x145: {  	v6 =	vld.idx.msk [tilespmem:v6+s14+$0x0], $0xffff;
	[tilespmem:s15+$0x70] =	vst v0  }
0x146: {  	v7 =	vld.idx.msk [tilespmem:v7+s14+$0x0], $0xffff;
	[tilespmem:s15+$0xFFFFFF10] =	vst v1  }
0x147: {  	v15 =	vld.idx.msk [tilespmem:v15+s14+$0x0], $0xffff;
	[tilespmem:s15+$0xFFFFFF20] =	vst v2  }
0x148: {  	v8 =	vld.idx.msk [tilespmem:v8+s14+$0x0], $0xffff;
	[tilespmem:s15+$0xFFFFFF30] =	vst v3  }
0x149: {  	[tilespmem:s15+$0xFFFFFF40] =	vst v4;
	v0 =	vld.idx.msk [tilespmem:v9+s14+$0x0], $0xffff  }
0x14a: {  	[tilespmem:s15+$0xFFFFFF50] =	vst v5;
	v1 =	vld.idx.msk [tilespmem:v10+s14+$0x0], $0xffff  }
0x14b: {  	[tilespmem:s15+$0xFFFFFF60] =	vst v6;
	v2 =	vld.idx.msk [tilespmem:v11+s14+$0x0], $0xffff  }
0x14c: {  	[tilespmem:s15+$0xFFFFFF70] =	vst v7;
	v3 =	vld.idx.msk [tilespmem:v12+s14+$0x0], $0xffff  }
0x14d: {  	[tilespmem:s15+$0xFFFFFF00] =	vst v15;
	v4 =	vld.idx.msk [tilespmem:v13+s14+$0x0], $0xffff  }
0x14e: {  	s3 =	sadd.s32 s6, s9;
	s16 =	simm.s32 $0x0;
	s17 =	simm.s32 $0x21F0;
	[tilespmem:s15+$0x0] =	vst v8;
	v5 =	vld.idx.msk [tilespmem:v14+s14+$0x0], $0xffff  }
.LBB2_11:
0x14f: {  	v6 =	vld [tilespmem:s17+$0x0];
	s16 =	sadd.s32 $0x10, s16;
	[tilespmem:s15+$0x10] =	vst v0  }
0x150: {  	v0 =	vld [tilespmem:s17+$0xFFFFFF20];
	p0 =	slt.u32 s16, $0xF0;
	[tilespmem:s15+$0x20] =	vst v1  }
0x151: {  	v1 =	vld [tilespmem:s17+$0xFFFFFF30];
	[tilespmem:s15+$0x30] =	vst v2  }
0x152: {  	v2 =	vld [tilespmem:s17+$0xFFFFFF40];
	[tilespmem:s15+$0x40] =	vst v3  }
0x153: {  	v3 =	vld [tilespmem:s17+$0xFFFFFF50];
	[tilespmem:s15+$0x50] =	vst v4  }
0x154: {  	v4 =	vld [tilespmem:s17+$0xFFFFFF60];
	[tilespmem:s15+$0x60] =	vst v5  }
0x155: {  	v5 =	vld [tilespmem:s17+$0xFFFFFF70]  }
0x156: {  	v7 =	vld [tilespmem:s17+$0xFFFFFF80]  }
0x157: {  	v6 =	vld.idx.msk [tilespmem:v6+s14+$0x0], $0xffff  }
0x158: {  	v8 =	vld [tilespmem:s17+$0xFFFFFF90]  }
0x159: {  	v9 =	vld [tilespmem:s17+$0xFFFFFFA0]  }
0x15a: {  	v10 =	vld [tilespmem:s17+$0xFFFFFFB0]  }
0x15b: {  	v11 =	vld [tilespmem:s17+$0xFFFFFFC0]  }
0x15c: {  	s15 =	sadd.s32 $0x200, s15;
	v12 =	vld [tilespmem:s17+$0xFFFFFFD0]  }
0x15d: {  	v13 =	vld [tilespmem:s17+$0xFFFFFFE0];
	[tilespmem:s15+$0x70] =	vst v6  }
0x15e: {  	v6 =	vld [tilespmem:s17+$0xFFFFFFF0]  }
0x15f: {  	v14 =	vld [tilespmem:s17+$0xFFFFFF10]  }
0x160: {  	v0 =	vld.idx.msk [tilespmem:v0+s14+$0x0], $0xffff  }
0x161: {  	v1 =	vld.idx.msk [tilespmem:v1+s14+$0x0], $0xffff  }
0x162: {  	v2 =	vld.idx.msk [tilespmem:v2+s14+$0x0], $0xffff  }
0x163: {  	v3 =	vld.idx.msk [tilespmem:v3+s14+$0x0], $0xffff  }
0x164: {  	v4 =	vld.idx.msk [tilespmem:v4+s14+$0x0], $0xffff  }
0x165: {  	v5 =	vld.idx.msk [tilespmem:v5+s14+$0x0], $0xffff  }
0x166: {  	[tilespmem:s15+$0xFFFFFF10] =	vst v0;
	v7 =	vld.idx.msk [tilespmem:v7+s14+$0x0], $0xffff  }
0x167: {  	v14 =	vld.idx.msk [tilespmem:v14+s14+$0x0], $0xffff;
	[tilespmem:s15+$0xFFFFFF20] =	vst v1  }
0x168: {  	[tilespmem:s15+$0xFFFFFF30] =	vst v2;
	v8 =	vld.idx.msk [tilespmem:v8+s14+$0x0], $0xffff  }
0x169: {  	[tilespmem:s15+$0xFFFFFF40] =	vst v3;
	v0 =	vld.idx.msk [tilespmem:v9+s14+$0x0], $0xffff  }
.Ltmp4:
0x16a: {  	[tilespmem:s15+$0xFFFFFF50] =	vst v4;
	v1 =	vld.idx.msk [tilespmem:v10+s14+$0x0], $0xffff;
	(pc) =	sbr.rel @p0 .LBB2_11-.Ltmp4, $4  }
0x16b: {  	[tilespmem:s15+$0xFFFFFF60] =	vst v5;
	v2 =	vld.idx.msk [tilespmem:v11+s14+$0x0], $0xffff  }
0x16c: {  	[tilespmem:s15+$0xFFFFFF70] =	vst v7;
	v3 =	vld.idx.msk [tilespmem:v12+s14+$0x0], $0xffff  }
0x16d: {  	[tilespmem:s15+$0xFFFFFF00] =	vst v14;
	v4 =	vld.idx.msk [tilespmem:v13+s14+$0x0], $0xffff  }
0x16e: {  	s17 =	sadd.s32 $0x100, s17;
	[tilespmem:s15+$0x0] =	vst v8;
	v5 =	vld.idx.msk [tilespmem:v6+s14+$0x0], $0xffff  }
0x16f: {  	[tilespmem:s15+$0x10] =	vst v0  }
0x170: {  	[tilespmem:s15+$0x20] =	vst v1  }
0x171: {  	[tilespmem:s15+$0x30] =	vst v2  }
0x172: {  	[tilespmem:s15+$0x40] =	vst v3  }
0x173: {  	s16 =	simm.s32 $0x80;
	[tilespmem:s15+$0x50] =	vst v4  }
0x174: {  	s18 =	sadd.s32 $0x0, s3;
	s17 =	simm.s32 $0x1C800;
	[tilespmem:s15+$0x60] =	vst v5;
	s15 =	simm.s32 $0x1C700  }
.LBB2_13:
0x175: {  	[hbm4b:s18+s5] =	stream.linear.scatter [tilespmem:s15], [sflag:$0x2], $0x80, $0x38;
	[tilespmem:$0x1EB00] =	vst v63  }
0x176: {  	s18 =	smov.u32 s16;
	s15 =	smov.u32 s17;
	p0 =	sne.s32 s16, $0xF80  }
.Ltmp5:
0x177: {  	s16 =	sadd.s32 $0x80, s16;
	(pc) =	sbr.rel @p0 .LBB2_13-.Ltmp5, $2  }
0x178: {  	_ =	sdelay $0x2  }
0x179: {  	s17 =	sadd.s32 $0x100, s17;
	s18 =	sadd.s32 s18, s3  }
0x17a: {  	[hbm4b:s18+s5] =	stream.linear.scatter [tilespmem:s15], [sflag:$0x2], $0x80, $0x38;
	[tilespmem:$0x1EB00] =	vst v63  }
0x17b: {  	_ =	swait.ge [sflag:s1], $0x1000  }
0x17c: {  	[sflag:s1] =	ssyncset.done $0x0  }
0x17d: {  	s21 =	simm.s32 $0x30F0;
	[sflag:s1] =	ssyncadd.s32 $0xFFFFF000  }
0x17e: {  	v0 =	vld [tilespmem:s21+$0x0]  }
0x17f: {  	v1 =	vld [tilespmem:s21+$0xFFFFFF20]  }
0x180: {  	v2 =	vld [tilespmem:s21+$0xFFFFFF30]  }
0x181: {  	v3 =	vld [tilespmem:s21+$0xFFFFFF40]  }
0x182: {  	v4 =	vld [tilespmem:s21+$0xFFFFFF50]  }
0x183: {  	v5 =	vld [tilespmem:s21+$0xFFFFFF60]  }
0x184: {  	v6 =	vld [tilespmem:s21+$0xFFFFFF70]  }
0x185: {  	v7 =	vld [tilespmem:s21+$0xFFFFFF80]  }
0x186: {  	v8 =	vld [tilespmem:s21+$0xFFFFFF90]  }
0x187: {  	v9 =	vld [tilespmem:s21+$0xFFFFFFA0]  }
0x188: {  	v10 =	vld [tilespmem:s21+$0xFFFFFFB0]  }
0x189: {  	v11 =	vld [tilespmem:s21+$0xFFFFFFC0]  }
0x18a: {  	v12 =	vld [tilespmem:s21+$0xFFFFFFD0]  }
0x18b: {  	v13 =	vld [tilespmem:s21+$0xFFFFFFE0]  }
0x18c: {  	v14 =	vld [tilespmem:s21+$0xFFFFFFF0]  }
0x18d: {  	v15 =	vld [tilespmem:s21+$0xFFFFFF10]  }
0x18e: {  	v0 =	vld.idx.msk [tilespmem:v0+s14+$0x0], $0xffff  }
0x18f: {  	v1 =	vld.idx.msk [tilespmem:v1+s14+$0x0], $0xffff  }
0x190: {  	v2 =	vld.idx.msk [tilespmem:v2+s14+$0x0], $0xffff  }
0x191: {  	v3 =	vld.idx.msk [tilespmem:v3+s14+$0x0], $0xffff  }
0x192: {  	v4 =	vld.idx.msk [tilespmem:v4+s14+$0x0], $0xffff  }
0x193: {  	s3 =	sadd.s32 s6, s10;
	s6 =	simm.s32 $0x1C880;
	v5 =	vld.idx.msk [tilespmem:v5+s14+$0x0], $0xffff  }
0x194: {  	v6 =	vld.idx.msk [tilespmem:v6+s14+$0x0], $0xffff;
	[tilespmem:s6+$0x70] =	vst v0  }
0x195: {  	v7 =	vld.idx.msk [tilespmem:v7+s14+$0x0], $0xffff;
	[tilespmem:s6+$0xFFFFFF10] =	vst v1  }
0x196: {  	v15 =	vld.idx.msk [tilespmem:v15+s14+$0x0], $0xffff;
	[tilespmem:s6+$0xFFFFFF20] =	vst v2  }
0x197: {  	v8 =	vld.idx.msk [tilespmem:v8+s14+$0x0], $0xffff;
	[tilespmem:s6+$0xFFFFFF30] =	vst v3  }
0x198: {  	[tilespmem:s6+$0xFFFFFF40] =	vst v4;
	v0 =	vld.idx.msk [tilespmem:v9+s14+$0x0], $0xffff  }
0x199: {  	[tilespmem:s6+$0xFFFFFF50] =	vst v5;
	v1 =	vld.idx.msk [tilespmem:v10+s14+$0x0], $0xffff  }
0x19a: {  	[tilespmem:s6+$0xFFFFFF60] =	vst v6;
	v2 =	vld.idx.msk [tilespmem:v11+s14+$0x0], $0xffff  }
0x19b: {  	[tilespmem:s6+$0xFFFFFF70] =	vst v7;
	v3 =	vld.idx.msk [tilespmem:v12+s14+$0x0], $0xffff  }
0x19c: {  	[tilespmem:s6+$0xFFFFFF00] =	vst v15;
	v4 =	vld.idx.msk [tilespmem:v13+s14+$0x0], $0xffff  }
0x19d: {  	s15 =	simm.s32 $0x0;
	s16 =	simm.s32 $0x31F0;
	[tilespmem:s6+$0x0] =	vst v8;
	v5 =	vld.idx.msk [tilespmem:v14+s14+$0x0], $0xffff  }
.LBB2_15:
0x19e: {  	v6 =	vld [tilespmem:s16+$0x0];
	s15 =	sadd.s32 $0x10, s15;
	[tilespmem:s6+$0x10] =	vst v0  }
0x19f: {  	v0 =	vld [tilespmem:s16+$0xFFFFFF20];
	p0 =	slt.u32 s15, $0xF0;
	[tilespmem:s6+$0x20] =	vst v1  }
0x1a0: {  	v1 =	vld [tilespmem:s16+$0xFFFFFF30];
	[tilespmem:s6+$0x30] =	vst v2  }
0x1a1: {  	v2 =	vld [tilespmem:s16+$0xFFFFFF40];
	[tilespmem:s6+$0x40] =	vst v3  }
0x1a2: {  	v3 =	vld [tilespmem:s16+$0xFFFFFF50];
	[tilespmem:s6+$0x50] =	vst v4  }
0x1a3: {  	v4 =	vld [tilespmem:s16+$0xFFFFFF60];
	[tilespmem:s6+$0x60] =	vst v5  }
0x1a4: {  	v5 =	vld [tilespmem:s16+$0xFFFFFF70]  }
0x1a5: {  	v7 =	vld [tilespmem:s16+$0xFFFFFF80]  }
0x1a6: {  	v6 =	vld.idx.msk [tilespmem:v6+s14+$0x0], $0xffff  }
0x1a7: {  	v8 =	vld [tilespmem:s16+$0xFFFFFF90]  }
0x1a8: {  	v9 =	vld [tilespmem:s16+$0xFFFFFFA0]  }
0x1a9: {  	v10 =	vld [tilespmem:s16+$0xFFFFFFB0]  }
0x1aa: {  	v11 =	vld [tilespmem:s16+$0xFFFFFFC0]  }
0x1ab: {  	s6 =	sadd.s32 $0x200, s6;
	v12 =	vld [tilespmem:s16+$0xFFFFFFD0]  }
0x1ac: {  	v13 =	vld [tilespmem:s16+$0xFFFFFFE0];
	[tilespmem:s6+$0x70] =	vst v6  }
0x1ad: {  	v6 =	vld [tilespmem:s16+$0xFFFFFFF0]  }
0x1ae: {  	v14 =	vld [tilespmem:s16+$0xFFFFFF10]  }
0x1af: {  	v0 =	vld.idx.msk [tilespmem:v0+s14+$0x0], $0xffff  }
0x1b0: {  	v1 =	vld.idx.msk [tilespmem:v1+s14+$0x0], $0xffff  }
0x1b1: {  	v2 =	vld.idx.msk [tilespmem:v2+s14+$0x0], $0xffff  }
0x1b2: {  	v3 =	vld.idx.msk [tilespmem:v3+s14+$0x0], $0xffff  }
0x1b3: {  	v4 =	vld.idx.msk [tilespmem:v4+s14+$0x0], $0xffff  }
0x1b4: {  	v5 =	vld.idx.msk [tilespmem:v5+s14+$0x0], $0xffff  }
0x1b5: {  	[tilespmem:s6+$0xFFFFFF10] =	vst v0;
	v7 =	vld.idx.msk [tilespmem:v7+s14+$0x0], $0xffff  }
0x1b6: {  	v14 =	vld.idx.msk [tilespmem:v14+s14+$0x0], $0xffff;
	[tilespmem:s6+$0xFFFFFF20] =	vst v1  }
0x1b7: {  	[tilespmem:s6+$0xFFFFFF30] =	vst v2;
	v8 =	vld.idx.msk [tilespmem:v8+s14+$0x0], $0xffff  }
0x1b8: {  	[tilespmem:s6+$0xFFFFFF40] =	vst v3;
	v0 =	vld.idx.msk [tilespmem:v9+s14+$0x0], $0xffff  }
.Ltmp6:
0x1b9: {  	[tilespmem:s6+$0xFFFFFF50] =	vst v4;
	v1 =	vld.idx.msk [tilespmem:v10+s14+$0x0], $0xffff;
	(pc) =	sbr.rel @p0 .LBB2_15-.Ltmp6, $4  }
0x1ba: {  	[tilespmem:s6+$0xFFFFFF60] =	vst v5;
	v2 =	vld.idx.msk [tilespmem:v11+s14+$0x0], $0xffff  }
0x1bb: {  	[tilespmem:s6+$0xFFFFFF70] =	vst v7;
	v3 =	vld.idx.msk [tilespmem:v12+s14+$0x0], $0xffff  }
0x1bc: {  	[tilespmem:s6+$0xFFFFFF00] =	vst v14;
	v4 =	vld.idx.msk [tilespmem:v13+s14+$0x0], $0xffff  }
0x1bd: {  	s16 =	sadd.s32 $0x100, s16;
	[tilespmem:s6+$0x0] =	vst v8;
	v5 =	vld.idx.msk [tilespmem:v6+s14+$0x0], $0xffff  }
0x1be: {  	[tilespmem:s6+$0x10] =	vst v0  }
0x1bf: {  	[tilespmem:s6+$0x20] =	vst v1  }
0x1c0: {  	[tilespmem:s6+$0x30] =	vst v2  }
0x1c1: {  	[tilespmem:s6+$0x40] =	vst v3  }
0x1c2: {  	s15 =	simm.s32 $0x80;
	[tilespmem:s6+$0x50] =	vst v4  }
0x1c3: {  	s17 =	sadd.s32 $0x0, s3;
	s16 =	simm.s32 $0x1C880;
	[tilespmem:s6+$0x60] =	vst v5;
	s6 =	simm.s32 $0x1C780  }
.LBB2_17:
0x1c4: {  	[hbm4b:s17+s5] =	stream.linear.scatter [tilespmem:s6], [sflag:$0x3], $0x80, $0x38;
	[tilespmem:$0x1EB00] =	vst v63  }
0x1c5: {  	s17 =	smov.u32 s15;
	s6 =	smov.u32 s16;
	p0 =	sne.s32 s15, $0xF80  }
.Ltmp7:
0x1c6: {  	s15 =	sadd.s32 $0x80, s15;
	(pc) =	sbr.rel @p0 .LBB2_17-.Ltmp7, $2  }
0x1c7: {  	_ =	sdelay $0x2  }
0x1c8: {  	s16 =	sadd.s32 $0x100, s16;
	s17 =	sadd.s32 s17, s3  }
0x1c9: {  	s0 =	sadd.s32 $0x1, s0  }
0x1ca: {  	p0 =	sne.s32 s0, $0x1A  }
.Ltmp8:
0x1cb: {  	_ = 	snop;
	(pc) =	sbr.rel @p0 .LBB2_2-.Ltmp8, $2  }
0x1cc: {  	_ =	sdelay $0x2  }
0x1cd: {  	[hbm4b:s17+s5] =	stream.linear.scatter [tilespmem:s6], [sflag:$0x3], $0x80, $0x38;
	[tilespmem:$0x1EB00] =	vst v63  }
0x1ce: {  	_ =	swait.ge [sflag:s11], $0x1000  }
0x1cf: {  	[sflag:s11] =	ssyncset.done $0x0  }
0x1d0: {  	[sflag:s11] =	ssyncadd.s32 $0xFFFFF000  }
0x1d1: {  	_ =	swait.ge [sflag:s1], $0x1000  }
0x1d2: {  	s3 =	rddreg [dreg:$0x7]  }
0x1d3: {  	s0 =	rddreg [dreg:$0x6];
	s3 =	sadd.s32 $0x1, s3  }
0x1d4: {  	p0 =	sne.s32 s3, s0  }
.Ltmp9:
0x1d5: {  	_ = 	snop;
	(pc) =	sbr.rel @p0 .LBB2_1-.Ltmp9, $3  }
0x1d6: {  	_ =	sdelay $0x1  }
0x1d7: {  	[sflag:s1] =	ssyncset.done $0x0  }
0x1d8: {  	[sflag:s1] =	ssyncadd.s32 $0xFFFFF000  }
0x1d9: {  	_ =	sfence.sel $0x180000  }
0x1da: {  	[bflag:$0x0] =	sbarrier.arrive $0xFFFF  }
0x1db: {  	_ =	strace $0x90000047  }
0x1dc: {  	s0 =	stileid.u32;
	[bflag:$0x2] =	sbarrier.arrive $0xFFFF  }
0x1dd: {  	p0 =	sne.s32 s0, $0x0;
	s0 =	rddreg [dreg:$0x4]  }
0x1de: {  	s0 =	sadd.s32 @!p0 $0x100000, s0  }
0x1df: {  	[sflag:s0] =	ssyncadd.tile.s32 @!p0 $0x1;
	_ =	shalt  }
.Lfunc_end2:
_tile_overlayer_lowered:
.L_overlay_start_2:
0x1e0: {  	(tag) =	ssettag $0x2  }
0x1e1: {  	s0 =	rddreg [dreg:$0x0];
	s2 =	stileid.u32  }
0x1e2: {  	s1 =	rddreg [dreg:$0x1];
	p0 =	sne.s32 s2, $0x0  }
0x1e3: {  	s3 =	rddreg [dreg:$0x2];
	[bflag:$0x3] =	sbarrier.arrive $0xFFFF;
	s2 =	simm.s32 @!p0 $0x1C04  }
0x1e4: {  	[timem:s3], [sflag:s2] =	dma.local @!p0 [hbm:s0], s1  }
0x1e5: {  	s0 =	simm.s32 @!p0 $0x4  }
0x1e6: {  	_ =	swait.ge @!p0 [sflag:s0], s1  }
0x1e7: {  	s1 =	ssub.s32 @!p0 $0x0, s1;
	[sflag:s0] =	ssyncset.done @!p0 $0x0  }
0x1e8: {  	[sflag:s0] =	ssyncadd.s32 @!p0 s1  }
0x1e9: {  	[bflag:$0x3] =	sbarrier.arrive $0xFFFF  }
0x1ea: {  	_ =	shalt  }

</sc_bundles>
